<compile_context>
chip_gen: v7x
topology: tpu7x:2x2x1
jax: 0.10.2.dev20260603
libtpu: 0.0.44.dev20260713+nightly
codegen_flags: <defaults>
</compile_context>

<pallas_src>
import functools

import jax
import jax.numpy as jnp
from jax import lax
from jax.experimental import pallas as pl
from jax.experimental.pallas import tpu as pltpu
from jax.experimental.pallas import tpu_sc as plsc

B = 16384
D = 128
NC = 2
NS = 16
NW = NC * NS
BPW = B // NW
CH = 128
NCH = BPW // CH

@functools.lru_cache(maxsize=1)
def _build_gather_mul():
    mesh = plsc.VectorSubcoreMesh(core_axis_name="c", subcore_axis_name="s")

    @functools.partial(
        pl.kernel,
        mesh=mesh,
        out_type=jax.ShapeDtypeStruct((B, D), jnp.float32),
        scratch_types=[
            pltpu.VMEM((NCH, CH), jnp.int32),
            pltpu.VMEM((NCH, CH), jnp.int32),
            pltpu.VMEM((CH, D), jnp.float32),
            pltpu.VMEM((CH, D), jnp.float32),
            pltpu.SemaphoreType.DMA,
            pltpu.SemaphoreType.DMA,
        ],
    )
    def _gather_mul(s_hbm, t_hbm, u_hbm, v_hbm, out_hbm,
                    sidx, tidx, ubuf, vbuf, usem, vsem):
        wid = lax.axis_index("s") * NC + lax.axis_index("c")
        pltpu.sync_copy(s_hbm.at[wid], sidx)
        pltpu.sync_copy(t_hbm.at[wid], tidx)
        base = wid * BPW
        for j in range(NCH):
            cu = pltpu.async_copy(u_hbm.at[sidx.at[j]], ubuf, usem)
            cv = pltpu.async_copy(v_hbm.at[tidx.at[j]], vbuf, vsem)
            cu.wait()
            cv.wait()

            def body(r, carry):
                for c in range(D // 16):
                    sl = pl.ds(c * 16, 16)
                    ubuf[r, sl] = ubuf[r, sl] * vbuf[r, sl]
                return carry

            lax.fori_loop(0, CH, body, 0)
            pltpu.sync_copy(ubuf, out_hbm.at[pl.ds(base + j * CH, CH)])

    return _gather_mul


def _mlp_body(prod_ref, w1t_ref, b1_ref, wtt_ref, btt_ref, wpst_ref,
              bpmi_ref, bsign_ref, o1_ref, o2_ref):
    prod = prod_ref[...]
    edge = jnp.maximum(
        jnp.dot(prod, w1t_ref[...], preferred_element_type=jnp.float32)
        + b1_ref[...], 0.0)
    ht = jnp.maximum(
        jnp.dot(edge, wtt_ref[...], preferred_element_type=jnp.float32)
        + btt_ref[...], 0.0)
    ot = lax.dot_general(wpst_ref[...], ht, (((1,), (1,)), ((), ())),
                         preferred_element_type=jnp.float32)
    o1_ref[...] = ot[0, :] + bpmi_ref[0]
    o2_ref[...] = jax.nn.sigmoid(ot[1, :] + bsign_ref[0])


def _pad_t(w, rows, cols):
    r0, c0 = w.shape
    wp = jnp.zeros((rows, cols), jnp.float32).at[:r0, :c0].set(w)
    return wp.T


def kernel(s, t, emb_u, emb_v, W1, b1, Wt1, bt1, Wpmi, bpmi, Wt2, bt2,
           Wsign, bsign):
    s2 = s.astype(jnp.int32).reshape(NW, NCH, CH)
    t2 = t.astype(jnp.int32).reshape(NW, NCH, CH)
    prod = _build_gather_mul()(s2, t2, emb_u, emb_v)

    w1t = _pad_t(W1, D, D)
    b1p = jnp.zeros((1, D), jnp.float32).at[0, :20].set(b1)
    wtt = (jnp.zeros((D, D), jnp.float32)
           .at[:20, 0:5].set(Wt1.T).at[:20, 5:10].set(Wt2.T))
    btt = (jnp.zeros((1, D), jnp.float32)
           .at[0, 0:5].set(bt1).at[0, 5:10].set(bt2))
    wpst = (jnp.zeros((D, D), jnp.float32)
            .at[0, 0:5].set(Wpmi[0]).at[1, 5:10].set(Wsign[0]))

    blk = 2048
    grid = (B // blk,)
    row_spec = pl.BlockSpec((blk, D), lambda i: (i, 0))
    w_spec = pl.BlockSpec((D, D), lambda i: (0, 0))
    b_spec = pl.BlockSpec((1, D), lambda i: (0, 0))
    s_spec = pl.BlockSpec(memory_space=pltpu.SMEM)
    o_spec = pl.BlockSpec((blk,), lambda i: (i,))
    o1, o2 = pl.pallas_call(
        _mlp_body,
        grid=grid,
        in_specs=[row_spec, w_spec, b_spec, w_spec, b_spec, w_spec,
                  s_spec, s_spec],
        out_specs=[o_spec, o_spec],
        out_shape=[jax.ShapeDtypeStruct((B,), jnp.float32),
                   jax.ShapeDtypeStruct((B,), jnp.float32)],
    )(prod, w1t, b1p, wtt, btt, wpst, bpmi, bsign)
    return (o1.reshape(B, 1), o2.reshape(B, 1))

# --- scband reference (transcript-rebuilt; emitter-appended) ---
"""Pipeline reference for scband-psne-55405078119358 (READ-ONLY COPY).

The authoritative reference and input builder live on the scoring server;
editing this copy changes nothing except your own understanding.
"""

import jax, jax.numpy as jnp
import numpy as np

N_NODE = 1000000
N_DIM = 128
B = 16384

def setup_inputs(seed: int = 0) -> dict:
    key = jax.random.key(seed)
    ks = jax.random.split(key, 16)
    s = jax.random.randint(ks[0], (B,), 0, N_NODE, dtype=jnp.int64) if jax.config.jax_enable_x64 else jax.random.randint(ks[0], (B,), 0, N_NODE)
    t = jax.random.randint(ks[1], (B,), 0, N_NODE)
    initrange = 0.001
    emb_u = jax.random.uniform(ks[2], (N_NODE, N_DIM), minval=-initrange, maxval=initrange, dtype=jnp.float32)
    emb_v = jax.random.uniform(ks[3], (N_NODE, N_DIM), minval=-initrange, maxval=initrange, dtype=jnp.float32)
    W1 = jax.random.normal(ks[4], (20, N_DIM), dtype=jnp.float32) * 0.05
    b1 = jnp.zeros((20,), dtype=jnp.float32)
    Wt1 = jax.random.normal(ks[5], (5, 20), dtype=jnp.float32) * 0.05
    bt1 = jnp.zeros((5,), dtype=jnp.float32)
    Wpmi = jax.random.normal(ks[6], (1, 5), dtype=jnp.float32) * 0.05
    bpmi = jnp.zeros((1,), dtype=jnp.float32)
    Wt2 = jax.random.normal(ks[7], (5, 20), dtype=jnp.float32) * 0.05
    bt2 = jnp.zeros((5,), dtype=jnp.float32)
    Wsign = jax.random.normal(ks[8], (1, 5), dtype=jnp.float32) * 0.05
    bsign = jnp.zeros((1,), dtype=jnp.float32)
    return {"s": s, "t": t, "emb_u": emb_u, "emb_v": emb_v,
            "W1": W1, "b1": b1, "Wt1": Wt1, "bt1": bt1,
            "Wpmi": Wpmi, "bpmi": bpmi, "Wt2": Wt2, "bt2": bt2,
            "Wsign": Wsign, "bsign": bsign}

def reference(s, t, emb_u, emb_v, W1, b1, Wt1, bt1, Wpmi, bpmi, Wt2, bt2, Wsign, bsign):
    # embedding lookups (SparseCore gather)
    eu = jnp.take(emb_u, s, axis=0)
    ev = jnp.take(emb_v, t, axis=0)
    # linear1: Linear(n_dim, 20) + Dropout(eval=identity) + ReLU
    edge = jax.nn.relu((eu * ev) @ W1.T + b1)
    # task1: Linear(20,5)+Dropout+ReLU -> pmi Linear(5,1)
    h1 = jax.nn.relu(edge @ Wt1.T + bt1)
    out1 = h1 @ Wpmi.T + bpmi
    # task2: Linear(20,5)+Dropout+ReLU -> sign_prob Linear(5,1) -> Sigmoid
    h2 = jax.nn.relu(edge @ Wt2.T + bt2)
    out2 = jax.nn.sigmoid(h2 @ Wsign.T + bsign)
    return (out1, out2)

if __name__ == "__main__":
    import jax
    _d = setup_inputs()
    print(jax.jit(kernel)(*tuple(_d.values())))

</pallas_src>

<mosaic_0001>
#map = affine_map<(d0, d1) -> (0, 0, 0)>
#map1 = affine_map<(d0, d1) -> (0, 0)>
module attributes {stable_mosaic.version = 14 : i64} {
  func.func @_gather_mul(%arg0: i32, %arg1: i32, %arg2: memref<32x4x128xi32, #tpu.memory_space<hbm>>, %arg3: memref<32x4x128xi32, #tpu.memory_space<hbm>>, %arg4: memref<1000000x128xf32, #tpu.memory_space<hbm>>, %arg5: memref<1000000x128xf32, #tpu.memory_space<hbm>>, %arg6: memref<16384x128xf32, #tpu.memory_space<hbm>>, %arg7: memref<4x128xi32, #tpu.memory_space<vmem>>, %arg8: memref<4x128xi32, #tpu.memory_space<vmem>>, %arg9: memref<128x128xf32, #tpu.memory_space<vmem>>, %arg10: memref<128x128xf32, #tpu.memory_space<vmem>>, %arg11: memref<!tpu.dma_semaphore, #tpu.memory_space<semaphore_mem>>, %arg12: memref<!tpu.dma_semaphore, #tpu.memory_space<semaphore_mem>>) attributes {dimension_semantics = [#tpu.dimension_semantics<core_parallel>, #tpu.dimension_semantics<subcore_parallel>], iteration_bounds = array<i64: 2, 16>, scalar_prefetch = 0 : i64, scratch_operands = 6 : i64, tpu.core_type = #tpu.core_type<sc_vector_subcore>, window_params = [{transform_indices = #map}, {transform_indices = #map}, {transform_indices = #map1}, {transform_indices = #map1}, {transform_indices = #map1}]} {
    %mul3A = arith.constant 2 : i32
    %mul3A_0 = arith.muli %arg1, %mul3A : i32
    %add3A = arith.addi %mul3A_0, %arg0 : i32
    "tpu.region"() ({
      %run_scoped3A = tpu.sem_alloc : memref<!tpu.dma_semaphore, #tpu.memory_space<semaphore_mem>>
      %dma_start3A_144 = arith.constant 0 : i32
      %dma_start3A_145 = arith.constant 0 : i32
      %dma_start3A_146 = tpu.memref_slice %arg2[%add3A, %dma_start3A_144, %dma_start3A_145] : memref<32x4x128xi32, #tpu.memory_space<hbm>> -> memref<1x4x128xi32, #tpu.memory_space<hbm>>
      %dma_start3A_147 = tpu.memref_squeeze %dma_start3A_146 : memref<1x4x128xi32, #tpu.memory_space<hbm>> -> memref<4x128xi32, #tpu.memory_space<hbm>>
      %dma_start3A_148 = arith.constant 0 : i32
      %dma_start3A_149 = arith.constant 0 : i32
      %dma_start3A_150 = tpu.memref_slice %arg2[%add3A, %dma_start3A_148, %dma_start3A_149] : memref<32x4x128xi32, #tpu.memory_space<hbm>> -> memref<1x4x128xi32, #tpu.memory_space<hbm>>
      %dma_start3A_151 = tpu.memref_squeeze %dma_start3A_150 : memref<1x4x128xi32, #tpu.memory_space<hbm>> -> memref<4x128xi32, #tpu.memory_space<hbm>>
      tpu.enqueue_dma source(%dma_start3A_151 : memref<4x128xi32, #tpu.memory_space<hbm>>) target(%arg7 : memref<4x128xi32, #tpu.memory_space<vmem>>) target_semaphore(%run_scoped3A : memref<!tpu.dma_semaphore, #tpu.memory_space<semaphore_mem>>)
      %dma_wait3A_152 = arith.constant 0 : i32
      %dma_wait3A_153 = arith.constant 0 : i32
      %dma_wait3A_154 = tpu.memref_slice %arg2[%add3A, %dma_wait3A_152, %dma_wait3A_153] : memref<32x4x128xi32, #tpu.memory_space<hbm>> -> memref<1x4x128xi32, #tpu.memory_space<hbm>>
      %dma_wait3A_155 = tpu.memref_squeeze %dma_wait3A_154 : memref<1x4x128xi32, #tpu.memory_space<hbm>> -> memref<4x128xi32, #tpu.memory_space<hbm>>
      %dma_wait3A_156 = arith.constant 0 : i32
      %dma_wait3A_157 = arith.constant 0 : i32
      %dma_wait3A_158 = tpu.memref_slice %arg2[%add3A, %dma_wait3A_156, %dma_wait3A_157] : memref<32x4x128xi32, #tpu.memory_space<hbm>> -> memref<1x4x128xi32, #tpu.memory_space<hbm>>
      %dma_wait3A_159 = tpu.memref_squeeze %dma_wait3A_158 : memref<1x4x128xi32, #tpu.memory_space<hbm>> -> memref<4x128xi32, #tpu.memory_space<hbm>>
      tpu.wait_dma2 semaphore(%run_scoped3A : memref<!tpu.dma_semaphore, #tpu.memory_space<semaphore_mem>>) src(%dma_wait3A_159 : memref<4x128xi32, #tpu.memory_space<hbm>>) dst(%arg7 : memref<4x128xi32, #tpu.memory_space<vmem>>)
      tpu.yield
    }) : () -> ()
    "tpu.region"() ({
      %run_scoped3A = tpu.sem_alloc : memref<!tpu.dma_semaphore, #tpu.memory_space<semaphore_mem>>
      %dma_start3A_144 = arith.constant 0 : i32
      %dma_start3A_145 = arith.constant 0 : i32
      %dma_start3A_146 = tpu.memref_slice %arg3[%add3A, %dma_start3A_144, %dma_start3A_145] : memref<32x4x128xi32, #tpu.memory_space<hbm>> -> memref<1x4x128xi32, #tpu.memory_space<hbm>>
      %dma_start3A_147 = tpu.memref_squeeze %dma_start3A_146 : memref<1x4x128xi32, #tpu.memory_space<hbm>> -> memref<4x128xi32, #tpu.memory_space<hbm>>
      %dma_start3A_148 = arith.constant 0 : i32
      %dma_start3A_149 = arith.constant 0 : i32
      %dma_start3A_150 = tpu.memref_slice %arg3[%add3A, %dma_start3A_148, %dma_start3A_149] : memref<32x4x128xi32, #tpu.memory_space<hbm>> -> memref<1x4x128xi32, #tpu.memory_space<hbm>>
      %dma_start3A_151 = tpu.memref_squeeze %dma_start3A_150 : memref<1x4x128xi32, #tpu.memory_space<hbm>> -> memref<4x128xi32, #tpu.memory_space<hbm>>
      tpu.enqueue_dma source(%dma_start3A_151 : memref<4x128xi32, #tpu.memory_space<hbm>>) target(%arg8 : memref<4x128xi32, #tpu.memory_space<vmem>>) target_semaphore(%run_scoped3A : memref<!tpu.dma_semaphore, #tpu.memory_space<semaphore_mem>>)
      %dma_wait3A_152 = arith.constant 0 : i32
      %dma_wait3A_153 = arith.constant 0 : i32
      %dma_wait3A_154 = tpu.memref_slice %arg3[%add3A, %dma_wait3A_152, %dma_wait3A_153] : memref<32x4x128xi32, #tpu.memory_space<hbm>> -> memref<1x4x128xi32, #tpu.memory_space<hbm>>
      %dma_wait3A_155 = tpu.memref_squeeze %dma_wait3A_154 : memref<1x4x128xi32, #tpu.memory_space<hbm>> -> memref<4x128xi32, #tpu.memory_space<hbm>>
      %dma_wait3A_156 = arith.constant 0 : i32
      %dma_wait3A_157 = arith.constant 0 : i32
      %dma_wait3A_158 = tpu.memref_slice %arg3[%add3A, %dma_wait3A_156, %dma_wait3A_157] : memref<32x4x128xi32, #tpu.memory_space<hbm>> -> memref<1x4x128xi32, #tpu.memory_space<hbm>>
      %dma_wait3A_159 = tpu.memref_squeeze %dma_wait3A_158 : memref<1x4x128xi32, #tpu.memory_space<hbm>> -> memref<4x128xi32, #tpu.memory_space<hbm>>
      tpu.wait_dma2 semaphore(%run_scoped3A : memref<!tpu.dma_semaphore, #tpu.memory_space<semaphore_mem>>) src(%dma_wait3A_159 : memref<4x128xi32, #tpu.memory_space<hbm>>) dst(%arg8 : memref<4x128xi32, #tpu.memory_space<vmem>>)
      tpu.yield
    }) : () -> ()
    %mul3A_1 = arith.constant 512 : i32
    %mul3A_2 = arith.muli %add3A, %mul3A_1 : i32
    %dma_start3A = arith.constant 0 : i32
    %dma_start3A_3 = arith.constant 0 : i32
    %dma_start3A_4 = tpu.memref_slice %arg7[%dma_start3A, %dma_start3A_3] : memref<4x128xi32, #tpu.memory_space<vmem>> -> memref<1x128xi32, #tpu.memory_space<vmem>>
    %dma_start3A_5 = tpu.memref_squeeze %dma_start3A_4 : memref<1x128xi32, #tpu.memory_space<vmem>> -> memref<128xi32, #tpu.memory_space<vmem>>
    %dma_start3A_6 = arith.constant 0 : i32
    %dma_start3A_7 = arith.constant 0 : i32
    %dma_start3A_8 = tpu.memref_slice %arg4[%dma_start3A_6, %dma_start3A_7] : memref<1000000x128xf32, #tpu.memory_space<hbm>> -> memref<1000000x128xf32, #tpu.memory_space<hbm>>
    tpu.enqueue_indirect_dma source(%dma_start3A_8 : memref<1000000x128xf32, #tpu.memory_space<hbm>>) target(%arg9 : memref<128x128xf32, #tpu.memory_space<vmem>>) offsets(%dma_start3A_5 : memref<128xi32, #tpu.memory_space<vmem>>) semaphore(%arg11 : memref<!tpu.dma_semaphore, #tpu.memory_space<semaphore_mem>>)
    %dma_start3A_9 = arith.constant 0 : i32
    %dma_start3A_10 = arith.constant 0 : i32
    %dma_start3A_11 = tpu.memref_slice %arg8[%dma_start3A_9, %dma_start3A_10] : memref<4x128xi32, #tpu.memory_space<vmem>> -> memref<1x128xi32, #tpu.memory_space<vmem>>
    %dma_start3A_12 = tpu.memref_squeeze %dma_start3A_11 : memref<1x128xi32, #tpu.memory_space<vmem>> -> memref<128xi32, #tpu.memory_space<vmem>>
    %dma_start3A_13 = arith.constant 0 : i32
    %dma_start3A_14 = arith.constant 0 : i32
    %dma_start3A_15 = tpu.memref_slice %arg5[%dma_start3A_13, %dma_start3A_14] : memref<1000000x128xf32, #tpu.memory_space<hbm>> -> memref<1000000x128xf32, #tpu.memory_space<hbm>>
    tpu.enqueue_indirect_dma source(%dma_start3A_15 : memref<1000000x128xf32, #tpu.memory_space<hbm>>) target(%arg10 : memref<128x128xf32, #tpu.memory_space<vmem>>) offsets(%dma_start3A_12 : memref<128xi32, #tpu.memory_space<vmem>>) semaphore(%arg12 : memref<!tpu.dma_semaphore, #tpu.memory_space<semaphore_mem>>)
    %dma_wait3A = arith.constant 0 : i32
    %dma_wait3A_16 = arith.constant 0 : i32
    %dma_wait3A_17 = tpu.memref_slice %arg7[%dma_wait3A, %dma_wait3A_16] : memref<4x128xi32, #tpu.memory_space<vmem>> -> memref<1x128xi32, #tpu.memory_space<vmem>>
    %dma_wait3A_18 = tpu.memref_squeeze %dma_wait3A_17 : memref<1x128xi32, #tpu.memory_space<vmem>> -> memref<128xi32, #tpu.memory_space<vmem>>
    %dma_wait3A_19 = arith.constant 0 : i32
    %dma_wait3A_20 = arith.constant 0 : i32
    %dma_wait3A_21 = tpu.memref_slice %arg4[%dma_wait3A_19, %dma_wait3A_20] : memref<1000000x128xf32, #tpu.memory_space<hbm>> -> memref<1000000x128xf32, #tpu.memory_space<hbm>>
    tpu.wait_indirect_dma semaphore(%arg11 : memref<!tpu.dma_semaphore, #tpu.memory_space<semaphore_mem>>) src(%dma_wait3A_21 : memref<1000000x128xf32, #tpu.memory_space<hbm>>) dst(%arg9 : memref<128x128xf32, #tpu.memory_space<vmem>>)
    %dma_wait3A_22 = arith.constant 0 : i32
    %dma_wait3A_23 = arith.constant 0 : i32
    %dma_wait3A_24 = tpu.memref_slice %arg8[%dma_wait3A_22, %dma_wait3A_23] : memref<4x128xi32, #tpu.memory_space<vmem>> -> memref<1x128xi32, #tpu.memory_space<vmem>>
    %dma_wait3A_25 = tpu.memref_squeeze %dma_wait3A_24 : memref<1x128xi32, #tpu.memory_space<vmem>> -> memref<128xi32, #tpu.memory_space<vmem>>
    %dma_wait3A_26 = arith.constant 0 : i32
    %dma_wait3A_27 = arith.constant 0 : i32
    %dma_wait3A_28 = tpu.memref_slice %arg5[%dma_wait3A_26, %dma_wait3A_27] : memref<1000000x128xf32, #tpu.memory_space<hbm>> -> memref<1000000x128xf32, #tpu.memory_space<hbm>>
    tpu.wait_indirect_dma semaphore(%arg12 : memref<!tpu.dma_semaphore, #tpu.memory_space<semaphore_mem>>) src(%dma_wait3A_28 : memref<1000000x128xf32, #tpu.memory_space<hbm>>) dst(%arg10 : memref<128x128xf32, #tpu.memory_space<vmem>>)
    %scan3A = arith.constant 0 : i32
    %scan3A_29 = arith.constant 0 : i32
    %scan3A_30 = arith.constant 128 : i32
    %scan3A_31 = arith.addi %scan3A_29, %scan3A_30 : i32
    %scan3A_32 = arith.constant 1 : i32
    scf.for %scan3A_144 = %scan3A_29 to %scan3A_31 step %scan3A_32  : i32 {
      %get3A = arith.index_cast %scan3A_144 : i32 to index
      %get3A_145 = arith.constant 0 : index
      %get3A_146 = tpu.vector_load %arg9[%get3A, %get3A_145] {strides = array<i32>} : memref<128x128xf32, #tpu.memory_space<vmem>>, vector<1x16xf32>,
      %get3A_147 = vector.shape_cast %get3A_146 : vector<1x16xf32> to vector<16xf32>
      %get3A_148 = arith.index_cast %scan3A_144 : i32 to index
      %get3A_149 = arith.constant 0 : index
      %get3A_150 = tpu.vector_load %arg10[%get3A_148, %get3A_149] {strides = array<i32>} : memref<128x128xf32, #tpu.memory_space<vmem>>, vector<1x16xf32>,
      %get3A_151 = vector.shape_cast %get3A_150 : vector<1x16xf32> to vector<16xf32>
      %mul3A_152 = arith.mulf %get3A_147, %get3A_151 : vector<16xf32>
      %swap3A = arith.index_cast %scan3A_144 : i32 to index
      %swap3A_153 = arith.constant 0 : index
      %swap3A_154 = tpu.vector_load %arg9[%swap3A, %swap3A_153] {strides = array<i32>} : memref<128x128xf32, #tpu.memory_space<vmem>>, vector<1x16xf32>,
      %swap3A_155 = vector.shape_cast %swap3A_154 : vector<1x16xf32> to vector<16xf32>
      %swap3A_156 = vector.shape_cast %mul3A_152 : vector<16xf32> to vector<1x16xf32>
      tpu.vector_store %arg9[%swap3A, %swap3A_153], %swap3A_156 {strides = array<i32>} : memref<128x128xf32, #tpu.memory_space<vmem>>, vector<1x16xf32>,
      %get3A_157 = arith.index_cast %scan3A_144 : i32 to index
      %get3A_158 = arith.constant 16 : index
      %get3A_159 = tpu.vector_load %arg9[%get3A_157, %get3A_158] {strides = array<i32>} : memref<128x128xf32, #tpu.memory_space<vmem>>, vector<1x16xf32>,
      %get3A_160 = vector.shape_cast %get3A_159 : vector<1x16xf32> to vector<16xf32>
      %get3A_161 = arith.index_cast %scan3A_144 : i32 to index
      %get3A_162 = arith.constant 16 : index
      %get3A_163 = tpu.vector_load %arg10[%get3A_161, %get3A_162] {strides = array<i32>} : memref<128x128xf32, #tpu.memory_space<vmem>>, vector<1x16xf32>,
      %get3A_164 = vector.shape_cast %get3A_163 : vector<1x16xf32> to vector<16xf32>
      %mul3A_165 = arith.mulf %get3A_160, %get3A_164 : vector<16xf32>
      %swap3A_166 = arith.index_cast %scan3A_144 : i32 to index
      %swap3A_167 = arith.constant 16 : index
      %swap3A_168 = tpu.vector_load %arg9[%swap3A_166, %swap3A_167] {strides = array<i32>} : memref<128x128xf32, #tpu.memory_space<vmem>>, vector<1x16xf32>,
      %swap3A_169 = vector.shape_cast %swap3A_168 : vector<1x16xf32> to vector<16xf32>
      %swap3A_170 = vector.shape_cast %mul3A_165 : vector<16xf32> to vector<1x16xf32>
      tpu.vector_store %arg9[%swap3A_166, %swap3A_167], %swap3A_170 {strides = array<i32>} : memref<128x128xf32, #tpu.memory_space<vmem>>, vector<1x16xf32>,
      %get3A_171 = arith.index_cast %scan3A_144 : i32 to index
      %get3A_172 = arith.constant 32 : index
      %get3A_173 = tpu.vector_load %arg9[%get3A_171, %get3A_172] {strides = array<i32>} : memref<128x128xf32, #tpu.memory_space<vmem>>, vector<1x16xf32>,
      %get3A_174 = vector.shape_cast %get3A_173 : vector<1x16xf32> to vector<16xf32>
      %get3A_175 = arith.index_cast %scan3A_144 : i32 to index
      %get3A_176 = arith.constant 32 : index
      %get3A_177 = tpu.vector_load %arg10[%get3A_175, %get3A_176] {strides = array<i32>} : memref<128x128xf32, #tpu.memory_space<vmem>>, vector<1x16xf32>,
      %get3A_178 = vector.shape_cast %get3A_177 : vector<1x16xf32> to vector<16xf32>
      %mul3A_179 = arith.mulf %get3A_174, %get3A_178 : vector<16xf32>
      %swap3A_180 = arith.index_cast %scan3A_144 : i32 to index
      %swap3A_181 = arith.constant 32 : index
      %swap3A_182 = tpu.vector_load %arg9[%swap3A_180, %swap3A_181] {strides = array<i32>} : memref<128x128xf32, #tpu.memory_space<vmem>>, vector<1x16xf32>,
      %swap3A_183 = vector.shape_cast %swap3A_182 : vector<1x16xf32> to vector<16xf32>
      %swap3A_184 = vector.shape_cast %mul3A_179 : vector<16xf32> to vector<1x16xf32>
      tpu.vector_store %arg9[%swap3A_180, %swap3A_181], %swap3A_184 {strides = array<i32>} : memref<128x128xf32, #tpu.memory_space<vmem>>, vector<1x16xf32>,
      %get3A_185 = arith.index_cast %scan3A_144 : i32 to index
      %get3A_186 = arith.constant 48 : index
      %get3A_187 = tpu.vector_load %arg9[%get3A_185, %get3A_186] {strides = array<i32>} : memref<128x128xf32, #tpu.memory_space<vmem>>, vector<1x16xf32>,
      %get3A_188 = vector.shape_cast %get3A_187 : vector<1x16xf32> to vector<16xf32>
      %get3A_189 = arith.index_cast %scan3A_144 : i32 to index
      %get3A_190 = arith.constant 48 : index
      %get3A_191 = tpu.vector_load %arg10[%get3A_189, %get3A_190] {strides = array<i32>} : memref<128x128xf32, #tpu.memory_space<vmem>>, vector<1x16xf32>,
      %get3A_192 = vector.shape_cast %get3A_191 : vector<1x16xf32> to vector<16xf32>
      %mul3A_193 = arith.mulf %get3A_188, %get3A_192 : vector<16xf32>
      %swap3A_194 = arith.index_cast %scan3A_144 : i32 to index
      %swap3A_195 = arith.constant 48 : index
      %swap3A_196 = tpu.vector_load %arg9[%swap3A_194, %swap3A_195] {strides = array<i32>} : memref<128x128xf32, #tpu.memory_space<vmem>>, vector<1x16xf32>,
      %swap3A_197 = vector.shape_cast %swap3A_196 : vector<1x16xf32> to vector<16xf32>
      %swap3A_198 = vector.shape_cast %mul3A_193 : vector<16xf32> to vector<1x16xf32>
      tpu.vector_store %arg9[%swap3A_194, %swap3A_195], %swap3A_198 {strides = array<i32>} : memref<128x128xf32, #tpu.memory_space<vmem>>, vector<1x16xf32>,
      %get3A_199 = arith.index_cast %scan3A_144 : i32 to index
      %get3A_200 = arith.constant 64 : index
      %get3A_201 = tpu.vector_load %arg9[%get3A_199, %get3A_200] {strides = array<i32>} : memref<128x128xf32, #tpu.memory_space<vmem>>, vector<1x16xf32>,
      %get3A_202 = vector.shape_cast %get3A_201 : vector<1x16xf32> to vector<16xf32>
      %get3A_203 = arith.index_cast %scan3A_144 : i32 to index
      %get3A_204 = arith.constant 64 : index
      %get3A_205 = tpu.vector_load %arg10[%get3A_203, %get3A_204] {strides = array<i32>} : memref<128x128xf32, #tpu.memory_space<vmem>>, vector<1x16xf32>,
      %get3A_206 = vector.shape_cast %get3A_205 : vector<1x16xf32> to vector<16xf32>
      %mul3A_207 = arith.mulf %get3A_202, %get3A_206 : vector<16xf32>
      %swap3A_208 = arith.index_cast %scan3A_144 : i32 to index
      %swap3A_209 = arith.constant 64 : index
      %swap3A_210 = tpu.vector_load %arg9[%swap3A_208, %swap3A_209] {strides = array<i32>} : memref<128x128xf32, #tpu.memory_space<vmem>>, vector<1x16xf32>,
      %swap3A_211 = vector.shape_cast %swap3A_210 : vector<1x16xf32> to vector<16xf32>
      %swap3A_212 = vector.shape_cast %mul3A_207 : vector<16xf32> to vector<1x16xf32>
      tpu.vector_store %arg9[%swap3A_208, %swap3A_209], %swap3A_212 {strides = array<i32>} : memref<128x128xf32, #tpu.memory_space<vmem>>, vector<1x16xf32>,
      %get3A_213 = arith.index_cast %scan3A_144 : i32 to index
      %get3A_214 = arith.constant 80 : index
      %get3A_215 = tpu.vector_load %arg9[%get3A_213, %get3A_214] {strides = array<i32>} : memref<128x128xf32, #tpu.memory_space<vmem>>, vector<1x16xf32>,
      %get3A_216 = vector.shape_cast %get3A_215 : vector<1x16xf32> to vector<16xf32>
      %get3A_217 = arith.index_cast %scan3A_144 : i32 to index
      %get3A_218 = arith.constant 80 : index
      %get3A_219 = tpu.vector_load %arg10[%get3A_217, %get3A_218] {strides = array<i32>} : memref<128x128xf32, #tpu.memory_space<vmem>>, vector<1x16xf32>,
      %get3A_220 = vector.shape_cast %get3A_219 : vector<1x16xf32> to vector<16xf32>
      %mul3A_221 = arith.mulf %get3A_216, %get3A_220 : vector<16xf32>
      %swap3A_222 = arith.index_cast %scan3A_144 : i32 to index
      %swap3A_223 = arith.constant 80 : index
      %swap3A_224 = tpu.vector_load %arg9[%swap3A_222, %swap3A_223] {strides = array<i32>} : memref<128x128xf32, #tpu.memory_space<vmem>>, vector<1x16xf32>,
      %swap3A_225 = vector.shape_cast %swap3A_224 : vector<1x16xf32> to vector<16xf32>
      %swap3A_226 = vector.shape_cast %mul3A_221 : vector<16xf32> to vector<1x16xf32>
      tpu.vector_store %arg9[%swap3A_222, %swap3A_223], %swap3A_226 {strides = array<i32>} : memref<128x128xf32, #tpu.memory_space<vmem>>, vector<1x16xf32>,
      %get3A_227 = arith.index_cast %scan3A_144 : i32 to index
      %get3A_228 = arith.constant 96 : index
      %get3A_229 = tpu.vector_load %arg9[%get3A_227, %get3A_228] {strides = array<i32>} : memref<128x128xf32, #tpu.memory_space<vmem>>, vector<1x16xf32>,
      %get3A_230 = vector.shape_cast %get3A_229 : vector<1x16xf32> to vector<16xf32>
      %get3A_231 = arith.index_cast %scan3A_144 : i32 to index
      %get3A_232 = arith.constant 96 : index
      %get3A_233 = tpu.vector_load %arg10[%get3A_231, %get3A_232] {strides = array<i32>} : memref<128x128xf32, #tpu.memory_space<vmem>>, vector<1x16xf32>,
      %get3A_234 = vector.shape_cast %get3A_233 : vector<1x16xf32> to vector<16xf32>
      %mul3A_235 = arith.mulf %get3A_230, %get3A_234 : vector<16xf32>
      %swap3A_236 = arith.index_cast %scan3A_144 : i32 to index
      %swap3A_237 = arith.constant 96 : index
      %swap3A_238 = tpu.vector_load %arg9[%swap3A_236, %swap3A_237] {strides = array<i32>} : memref<128x128xf32, #tpu.memory_space<vmem>>, vector<1x16xf32>,
      %swap3A_239 = vector.shape_cast %swap3A_238 : vector<1x16xf32> to vector<16xf32>
      %swap3A_240 = vector.shape_cast %mul3A_235 : vector<16xf32> to vector<1x16xf32>
      tpu.vector_store %arg9[%swap3A_236, %swap3A_237], %swap3A_240 {strides = array<i32>} : memref<128x128xf32, #tpu.memory_space<vmem>>, vector<1x16xf32>,
      %get3A_241 = arith.index_cast %scan3A_144 : i32 to index
      %get3A_242 = arith.constant 112 : index
      %get3A_243 = tpu.vector_load %arg9[%get3A_241, %get3A_242] {strides = array<i32>} : memref<128x128xf32, #tpu.memory_space<vmem>>, vector<1x16xf32>,
      %get3A_244 = vector.shape_cast %get3A_243 : vector<1x16xf32> to vector<16xf32>
      %get3A_245 = arith.index_cast %scan3A_144 : i32 to index
      %get3A_246 = arith.constant 112 : index
      %get3A_247 = tpu.vector_load %arg10[%get3A_245, %get3A_246] {strides = array<i32>} : memref<128x128xf32, #tpu.memory_space<vmem>>, vector<1x16xf32>,
      %get3A_248 = vector.shape_cast %get3A_247 : vector<1x16xf32> to vector<16xf32>
      %mul3A_249 = arith.mulf %get3A_244, %get3A_248 : vector<16xf32>
      %swap3A_250 = arith.index_cast %scan3A_144 : i32 to index
      %swap3A_251 = arith.constant 112 : index
      %swap3A_252 = tpu.vector_load %arg9[%swap3A_250, %swap3A_251] {strides = array<i32>} : memref<128x128xf32, #tpu.memory_space<vmem>>, vector<1x16xf32>,
      %swap3A_253 = vector.shape_cast %swap3A_252 : vector<1x16xf32> to vector<16xf32>
      %swap3A_254 = vector.shape_cast %mul3A_249 : vector<16xf32> to vector<1x16xf32>
      tpu.vector_store %arg9[%swap3A_250, %swap3A_251], %swap3A_254 {strides = array<i32>} : memref<128x128xf32, #tpu.memory_space<vmem>>, vector<1x16xf32>,
    }
    %scan3A_33 = arith.constant 128 : i32
    %add3A_34 = arith.constant 0 : i32
    %add3A_35 = arith.addi %mul3A_2, %add3A_34 : i32
    "tpu.region"() ({
      %run_scoped3A = tpu.sem_alloc : memref<!tpu.dma_semaphore, #tpu.memory_space<semaphore_mem>>
      %dma_start3A_144 = arith.constant 0 : i32
      %dma_start3A_145 = tpu.memref_slice %arg6[%add3A_35, %dma_start3A_144] : memref<16384x128xf32, #tpu.memory_space<hbm>> -> memref<128x128xf32, #tpu.memory_space<hbm>>
      %dma_start3A_146 = arith.constant 0 : i32
      %dma_start3A_147 = tpu.memref_slice %arg6[%add3A_35, %dma_start3A_146] : memref<16384x128xf32, #tpu.memory_space<hbm>> -> memref<128x128xf32, #tpu.memory_space<hbm>>
      tpu.enqueue_dma source(%arg9 : memref<128x128xf32, #tpu.memory_space<vmem>>) target(%dma_start3A_147 : memref<128x128xf32, #tpu.memory_space<hbm>>) target_semaphore(%run_scoped3A : memref<!tpu.dma_semaphore, #tpu.memory_space<semaphore_mem>>)
      %dma_wait3A_148 = arith.constant 0 : i32
      %dma_wait3A_149 = tpu.memref_slice %arg6[%add3A_35, %dma_wait3A_148] : memref<16384x128xf32, #tpu.memory_space<hbm>> -> memref<128x128xf32, #tpu.memory_space<hbm>>
      %dma_wait3A_150 = arith.constant 0 : i32
      %dma_wait3A_151 = tpu.memref_slice %arg6[%add3A_35, %dma_wait3A_150] : memref<16384x128xf32, #tpu.memory_space<hbm>> -> memref<128x128xf32, #tpu.memory_space<hbm>>
      tpu.wait_dma2 semaphore(%run_scoped3A : memref<!tpu.dma_semaphore, #tpu.memory_space<semaphore_mem>>) src(%arg9 : memref<128x128xf32, #tpu.memory_space<vmem>>) dst(%dma_wait3A_151 : memref<128x128xf32, #tpu.memory_space<hbm>>)
      tpu.yield
    }) : () -> ()
    %dma_start3A_36 = arith.constant 1 : i32
    %dma_start3A_37 = arith.constant 0 : i32
    %dma_start3A_38 = tpu.memref_slice %arg7[%dma_start3A_36, %dma_start3A_37] : memref<4x128xi32, #tpu.memory_space<vmem>> -> memref<1x128xi32, #tpu.memory_space<vmem>>
    %dma_start3A_39 = tpu.memref_squeeze %dma_start3A_38 : memref<1x128xi32, #tpu.memory_space<vmem>> -> memref<128xi32, #tpu.memory_space<vmem>>
    %dma_start3A_40 = arith.constant 0 : i32
    %dma_start3A_41 = arith.constant 0 : i32
    %dma_start3A_42 = tpu.memref_slice %arg4[%dma_start3A_40, %dma_start3A_41] : memref<1000000x128xf32, #tpu.memory_space<hbm>> -> memref<1000000x128xf32, #tpu.memory_space<hbm>>
    tpu.enqueue_indirect_dma source(%dma_start3A_42 : memref<1000000x128xf32, #tpu.memory_space<hbm>>) target(%arg9 : memref<128x128xf32, #tpu.memory_space<vmem>>) offsets(%dma_start3A_39 : memref<128xi32, #tpu.memory_space<vmem>>) semaphore(%arg11 : memref<!tpu.dma_semaphore, #tpu.memory_space<semaphore_mem>>)
    %dma_start3A_43 = arith.constant 1 : i32
    %dma_start3A_44 = arith.constant 0 : i32
    %dma_start3A_45 = tpu.memref_slice %arg8[%dma_start3A_43, %dma_start3A_44] : memref<4x128xi32, #tpu.memory_space<vmem>> -> memref<1x128xi32, #tpu.memory_space<vmem>>
    %dma_start3A_46 = tpu.memref_squeeze %dma_start3A_45 : memref<1x128xi32, #tpu.memory_space<vmem>> -> memref<128xi32, #tpu.memory_space<vmem>>
    %dma_start3A_47 = arith.constant 0 : i32
    %dma_start3A_48 = arith.constant 0 : i32
    %dma_start3A_49 = tpu.memref_slice %arg5[%dma_start3A_47, %dma_start3A_48] : memref<1000000x128xf32, #tpu.memory_space<hbm>> -> memref<1000000x128xf32, #tpu.memory_space<hbm>>
    tpu.enqueue_indirect_dma source(%dma_start3A_49 : memref<1000000x128xf32, #tpu.memory_space<hbm>>) target(%arg10 : memref<128x128xf32, #tpu.memory_space<vmem>>) offsets(%dma_start3A_46 : memref<128xi32, #tpu.memory_space<vmem>>) semaphore(%arg12 : memref<!tpu.dma_semaphore, #tpu.memory_space<semaphore_mem>>)
    %dma_wait3A_50 = arith.constant 1 : i32
    %dma_wait3A_51 = arith.constant 0 : i32
    %dma_wait3A_52 = tpu.memref_slice %arg7[%dma_wait3A_50, %dma_wait3A_51] : memref<4x128xi32, #tpu.memory_space<vmem>> -> memref<1x128xi32, #tpu.memory_space<vmem>>
    %dma_wait3A_53 = tpu.memref_squeeze %dma_wait3A_52 : memref<1x128xi32, #tpu.memory_space<vmem>> -> memref<128xi32, #tpu.memory_space<vmem>>
    %dma_wait3A_54 = arith.constant 0 : i32
    %dma_wait3A_55 = arith.constant 0 : i32
    %dma_wait3A_56 = tpu.memref_slice %arg4[%dma_wait3A_54, %dma_wait3A_55] : memref<1000000x128xf32, #tpu.memory_space<hbm>> -> memref<1000000x128xf32, #tpu.memory_space<hbm>>
    tpu.wait_indirect_dma semaphore(%arg11 : memref<!tpu.dma_semaphore, #tpu.memory_space<semaphore_mem>>) src(%dma_wait3A_56 : memref<1000000x128xf32, #tpu.memory_space<hbm>>) dst(%arg9 : memref<128x128xf32, #tpu.memory_space<vmem>>)
    %dma_wait3A_57 = arith.constant 1 : i32
    %dma_wait3A_58 = arith.constant 0 : i32
    %dma_wait3A_59 = tpu.memref_slice %arg8[%dma_wait3A_57, %dma_wait3A_58] : memref<4x128xi32, #tpu.memory_space<vmem>> -> memref<1x128xi32, #tpu.memory_space<vmem>>
    %dma_wait3A_60 = tpu.memref_squeeze %dma_wait3A_59 : memref<1x128xi32, #tpu.memory_space<vmem>> -> memref<128xi32, #tpu.memory_space<vmem>>
    %dma_wait3A_61 = arith.constant 0 : i32
    %dma_wait3A_62 = arith.constant 0 : i32
    %dma_wait3A_63 = tpu.memref_slice %arg5[%dma_wait3A_61, %dma_wait3A_62] : memref<1000000x128xf32, #tpu.memory_space<hbm>> -> memref<1000000x128xf32, #tpu.memory_space<hbm>>
    tpu.wait_indirect_dma semaphore(%arg12 : memref<!tpu.dma_semaphore, #tpu.memory_space<semaphore_mem>>) src(%dma_wait3A_63 : memref<1000000x128xf32, #tpu.memory_space<hbm>>) dst(%arg10 : memref<128x128xf32, #tpu.memory_space<vmem>>)
    %scan3A_64 = arith.constant 0 : i32
    %scan3A_65 = arith.constant 0 : i32
    %scan3A_66 = arith.constant 128 : i32
    %scan3A_67 = arith.addi %scan3A_65, %scan3A_66 : i32
    %scan3A_68 = arith.constant 1 : i32
    scf.for %scan3A_144 = %scan3A_65 to %scan3A_67 step %scan3A_68  : i32 {
      %get3A = arith.index_cast %scan3A_144 : i32 to index
      %get3A_145 = arith.constant 0 : index
      %get3A_146 = tpu.vector_load %arg9[%get3A, %get3A_145] {strides = array<i32>} : memref<128x128xf32, #tpu.memory_space<vmem>>, vector<1x16xf32>,
      %get3A_147 = vector.shape_cast %get3A_146 : vector<1x16xf32> to vector<16xf32>
      %get3A_148 = arith.index_cast %scan3A_144 : i32 to index
      %get3A_149 = arith.constant 0 : index
      %get3A_150 = tpu.vector_load %arg10[%get3A_148, %get3A_149] {strides = array<i32>} : memref<128x128xf32, #tpu.memory_space<vmem>>, vector<1x16xf32>,
      %get3A_151 = vector.shape_cast %get3A_150 : vector<1x16xf32> to vector<16xf32>
      %mul3A_152 = arith.mulf %get3A_147, %get3A_151 : vector<16xf32>
      %swap3A = arith.index_cast %scan3A_144 : i32 to index
      %swap3A_153 = arith.constant 0 : index
      %swap3A_154 = tpu.vector_load %arg9[%swap3A, %swap3A_153] {strides = array<i32>} : memref<128x128xf32, #tpu.memory_space<vmem>>, vector<1x16xf32>,
      %swap3A_155 = vector.shape_cast %swap3A_154 : vector<1x16xf32> to vector<16xf32>
      %swap3A_156 = vector.shape_cast %mul3A_152 : vector<16xf32> to vector<1x16xf32>
      tpu.vector_store %arg9[%swap3A, %swap3A_153], %swap3A_156 {strides = array<i32>} : memref<128x128xf32, #tpu.memory_space<vmem>>, vector<1x16xf32>,
      %get3A_157 = arith.index_cast %scan3A_144 : i32 to index
      %get3A_158 = arith.constant 16 : index
      %get3A_159 = tpu.vector_load %arg9[%get3A_157, %get3A_158] {strides = array<i32>} : memref<128x128xf32, #tpu.memory_space<vmem>>, vector<1x16xf32>,
      %get3A_160 = vector.shape_cast %get3A_159 : vector<1x16xf32> to vector<16xf32>
      %get3A_161 = arith.index_cast %scan3A_144 : i32 to index
      %get3A_162 = arith.constant 16 : index
      %get3A_163 = tpu.vector_load %arg10[%get3A_161, %get3A_162] {strides = array<i32>} : memref<128x128xf32, #tpu.memory_space<vmem>>, vector<1x16xf32>,
      %get3A_164 = vector.shape_cast %get3A_163 : vector<1x16xf32> to vector<16xf32>
      %mul3A_165 = arith.mulf %get3A_160, %get3A_164 : vector<16xf32>
      %swap3A_166 = arith.index_cast %scan3A_144 : i32 to index
      %swap3A_167 = arith.constant 16 : index
      %swap3A_168 = tpu.vector_load %arg9[%swap3A_166, %swap3A_167] {strides = array<i32>} : memref<128x128xf32, #tpu.memory_space<vmem>>, vector<1x16xf32>,
      %swap3A_169 = vector.shape_cast %swap3A_168 : vector<1x16xf32> to vector<16xf32>
      %swap3A_170 = vector.shape_cast %mul3A_165 : vector<16xf32> to vector<1x16xf32>
      tpu.vector_store %arg9[%swap3A_166, %swap3A_167], %swap3A_170 {strides = array<i32>} : memref<128x128xf32, #tpu.memory_space<vmem>>, vector<1x16xf32>,
      %get3A_171 = arith.index_cast %scan3A_144 : i32 to index
      %get3A_172 = arith.constant 32 : index
      %get3A_173 = tpu.vector_load %arg9[%get3A_171, %get3A_172] {strides = array<i32>} : memref<128x128xf32, #tpu.memory_space<vmem>>, vector<1x16xf32>,
      %get3A_174 = vector.shape_cast %get3A_173 : vector<1x16xf32> to vector<16xf32>
      %get3A_175 = arith.index_cast %scan3A_144 : i32 to index
      %get3A_176 = arith.constant 32 : index
      %get3A_177 = tpu.vector_load %arg10[%get3A_175, %get3A_176] {strides = array<i32>} : memref<128x128xf32, #tpu.memory_space<vmem>>, vector<1x16xf32>,
      %get3A_178 = vector.shape_cast %get3A_177 : vector<1x16xf32> to vector<16xf32>
      %mul3A_179 = arith.mulf %get3A_174, %get3A_178 : vector<16xf32>
      %swap3A_180 = arith.index_cast %scan3A_144 : i32 to index
      %swap3A_181 = arith.constant 32 : index
      %swap3A_182 = tpu.vector_load %arg9[%swap3A_180, %swap3A_181] {strides = array<i32>} : memref<128x128xf32, #tpu.memory_space<vmem>>, vector<1x16xf32>,
      %swap3A_183 = vector.shape_cast %swap3A_182 : vector<1x16xf32> to vector<16xf32>
      %swap3A_184 = vector.shape_cast %mul3A_179 : vector<16xf32> to vector<1x16xf32>
      tpu.vector_store %arg9[%swap3A_180, %swap3A_181], %swap3A_184 {strides = array<i32>} : memref<128x128xf32, #tpu.memory_space<vmem>>, vector<1x16xf32>,
      %get3A_185 = arith.index_cast %scan3A_144 : i32 to index
      %get3A_186 = arith.constant 48 : index
      %get3A_187 = tpu.vector_load %arg9[%get3A_185, %get3A_186] {strides = array<i32>} : memref<128x128xf32, #tpu.memory_space<vmem>>, vector<1x16xf32>,
      %get3A_188 = vector.shape_cast %get3A_187 : vector<1x16xf32> to vector<16xf32>
      %get3A_189 = arith.index_cast %scan3A_144 : i32 to index
      %get3A_190 = arith.constant 48 : index
      %get3A_191 = tpu.vector_load %arg10[%get3A_189, %get3A_190] {strides = array<i32>} : memref<128x128xf32, #tpu.memory_space<vmem>>, vector<1x16xf32>,
      %get3A_192 = vector.shape_cast %get3A_191 : vector<1x16xf32> to vector<16xf32>
      %mul3A_193 = arith.mulf %get3A_188, %get3A_192 : vector<16xf32>
      %swap3A_194 = arith.index_cast %scan3A_144 : i32 to index
      %swap3A_195 = arith.constant 48 : index
      %swap3A_196 = tpu.vector_load %arg9[%swap3A_194, %swap3A_195] {strides = array<i32>} : memref<128x128xf32, #tpu.memory_space<vmem>>, vector<1x16xf32>,
      %swap3A_197 = vector.shape_cast %swap3A_196 : vector<1x16xf32> to vector<16xf32>
      %swap3A_198 = vector.shape_cast %mul3A_193 : vector<16xf32> to vector<1x16xf32>
      tpu.vector_store %arg9[%swap3A_194, %swap3A_195], %swap3A_198 {strides = array<i32>} : memref<128x128xf32, #tpu.memory_space<vmem>>, vector<1x16xf32>,
      %get3A_199 = arith.index_cast %scan3A_144 : i32 to index
      %get3A_200 = arith.constant 64 : index
      %get3A_201 = tpu.vector_load %arg9[%get3A_199, %get3A_200] {strides = array<i32>} : memref<128x128xf32, #tpu.memory_space<vmem>>, vector<1x16xf32>,
      %get3A_202 = vector.shape_cast %get3A_201 : vector<1x16xf32> to vector<16xf32>
      %get3A_203 = arith.index_cast %scan3A_144 : i32 to index
      %get3A_204 = arith.constant 64 : index
      %get3A_205 = tpu.vector_load %arg10[%get3A_203, %get3A_204] {strides = array<i32>} : memref<128x128xf32, #tpu.memory_space<vmem>>, vector<1x16xf32>,
      %get3A_206 = vector.shape_cast %get3A_205 : vector<1x16xf32> to vector<16xf32>
      %mul3A_207 = arith.mulf %get3A_202, %get3A_206 : vector<16xf32>
      %swap3A_208 = arith.index_cast %scan3A_144 : i32 to index
      %swap3A_209 = arith.constant 64 : index
      %swap3A_210 = tpu.vector_load %arg9[%swap3A_208, %swap3A_209] {strides = array<i32>} : memref<128x128xf32, #tpu.memory_space<vmem>>, vector<1x16xf32>,
      %swap3A_211 = vector.shape_cast %swap3A_210 : vector<1x16xf32> to vector<16xf32>
      %swap3A_212 = vector.shape_cast %mul3A_207 : vector<16xf32> to vector<1x16xf32>
      tpu.vector_store %arg9[%swap3A_208, %swap3A_209], %swap3A_212 {strides = array<i32>} : memref<128x128xf32, #tpu.memory_space<vmem>>, vector<1x16xf32>,
      %get3A_213 = arith.index_cast %scan3A_144 : i32 to index
      %get3A_214 = arith.constant 80 : index
      %get3A_215 = tpu.vector_load %arg9[%get3A_213, %get3A_214] {strides = array<i32>} : memref<128x128xf32, #tpu.memory_space<vmem>>, vector<1x16xf32>,
      %get3A_216 = vector.shape_cast %get3A_215 : vector<1x16xf32> to vector<16xf32>
      %get3A_217 = arith.index_cast %scan3A_144 : i32 to index
      %get3A_218 = arith.constant 80 : index
      %get3A_219 = tpu.vector_load %arg10[%get3A_217, %get3A_218] {strides = array<i32>} : memref<128x128xf32, #tpu.memory_space<vmem>>, vector<1x16xf32>,
      %get3A_220 = vector.shape_cast %get3A_219 : vector<1x16xf32> to vector<16xf32>
      %mul3A_221 = arith.mulf %get3A_216, %get3A_220 : vector<16xf32>
      %swap3A_222 = arith.index_cast %scan3A_144 : i32 to index
      %swap3A_223 = arith.constant 80 : index
      %swap3A_224 = tpu.vector_load %arg9[%swap3A_222, %swap3A_223] {strides = array<i32>} : memref<128x128xf32, #tpu.memory_space<vmem>>, vector<1x16xf32>,
      %swap3A_225 = vector.shape_cast %swap3A_224 : vector<1x16xf32> to vector<16xf32>
      %swap3A_226 = vector.shape_cast %mul3A_221 : vector<16xf32> to vector<1x16xf32>
      tpu.vector_store %arg9[%swap3A_222, %swap3A_223], %swap3A_226 {strides = array<i32>} : memref<128x128xf32, #tpu.memory_space<vmem>>, vector<1x16xf32>,
      %get3A_227 = arith.index_cast %scan3A_144 : i32 to index
      %get3A_228 = arith.constant 96 : index
      %get3A_229 = tpu.vector_load %arg9[%get3A_227, %get3A_228] {strides = array<i32>} : memref<128x128xf32, #tpu.memory_space<vmem>>, vector<1x16xf32>,
      %get3A_230 = vector.shape_cast %get3A_229 : vector<1x16xf32> to vector<16xf32>
      %get3A_231 = arith.index_cast %scan3A_144 : i32 to index
      %get3A_232 = arith.constant 96 : index
      %get3A_233 = tpu.vector_load %arg10[%get3A_231, %get3A_232] {strides = array<i32>} : memref<128x128xf32, #tpu.memory_space<vmem>>, vector<1x16xf32>,
      %get3A_234 = vector.shape_cast %get3A_233 : vector<1x16xf32> to vector<16xf32>
      %mul3A_235 = arith.mulf %get3A_230, %get3A_234 : vector<16xf32>
      %swap3A_236 = arith.index_cast %scan3A_144 : i32 to index
      %swap3A_237 = arith.constant 96 : index
      %swap3A_238 = tpu.vector_load %arg9[%swap3A_236, %swap3A_237] {strides = array<i32>} : memref<128x128xf32, #tpu.memory_space<vmem>>, vector<1x16xf32>,
      %swap3A_239 = vector.shape_cast %swap3A_238 : vector<1x16xf32> to vector<16xf32>
      %swap3A_240 = vector.shape_cast %mul3A_235 : vector<16xf32> to vector<1x16xf32>
      tpu.vector_store %arg9[%swap3A_236, %swap3A_237], %swap3A_240 {strides = array<i32>} : memref<128x128xf32, #tpu.memory_space<vmem>>, vector<1x16xf32>,
      %get3A_241 = arith.index_cast %scan3A_144 : i32 to index
      %get3A_242 = arith.constant 112 : index
      %get3A_243 = tpu.vector_load %arg9[%get3A_241, %get3A_242] {strides = array<i32>} : memref<128x128xf32, #tpu.memory_space<vmem>>, vector<1x16xf32>,
      %get3A_244 = vector.shape_cast %get3A_243 : vector<1x16xf32> to vector<16xf32>
      %get3A_245 = arith.index_cast %scan3A_144 : i32 to index
      %get3A_246 = arith.constant 112 : index
      %get3A_247 = tpu.vector_load %arg10[%get3A_245, %get3A_246] {strides = array<i32>} : memref<128x128xf32, #tpu.memory_space<vmem>>, vector<1x16xf32>,
      %get3A_248 = vector.shape_cast %get3A_247 : vector<1x16xf32> to vector<16xf32>
      %mul3A_249 = arith.mulf %get3A_244, %get3A_248 : vector<16xf32>
      %swap3A_250 = arith.index_cast %scan3A_144 : i32 to index
      %swap3A_251 = arith.constant 112 : index
      %swap3A_252 = tpu.vector_load %arg9[%swap3A_250, %swap3A_251] {strides = array<i32>} : memref<128x128xf32, #tpu.memory_space<vmem>>, vector<1x16xf32>,
      %swap3A_253 = vector.shape_cast %swap3A_252 : vector<1x16xf32> to vector<16xf32>
      %swap3A_254 = vector.shape_cast %mul3A_249 : vector<16xf32> to vector<1x16xf32>
      tpu.vector_store %arg9[%swap3A_250, %swap3A_251], %swap3A_254 {strides = array<i32>} : memref<128x128xf32, #tpu.memory_space<vmem>>, vector<1x16xf32>,
    }
    %scan3A_69 = arith.constant 128 : i32
    %add3A_70 = arith.constant 128 : i32
    %add3A_71 = arith.addi %mul3A_2, %add3A_70 : i32
    "tpu.region"() ({
      %run_scoped3A = tpu.sem_alloc : memref<!tpu.dma_semaphore, #tpu.memory_space<semaphore_mem>>
      %dma_start3A_144 = arith.constant 0 : i32
      %dma_start3A_145 = tpu.memref_slice %arg6[%add3A_71, %dma_start3A_144] : memref<16384x128xf32, #tpu.memory_space<hbm>> -> memref<128x128xf32, #tpu.memory_space<hbm>>
      %dma_start3A_146 = arith.constant 0 : i32
      %dma_start3A_147 = tpu.memref_slice %arg6[%add3A_71, %dma_start3A_146] : memref<16384x128xf32, #tpu.memory_space<hbm>> -> memref<128x128xf32, #tpu.memory_space<hbm>>
      tpu.enqueue_dma source(%arg9 : memref<128x128xf32, #tpu.memory_space<vmem>>) target(%dma_start3A_147 : memref<128x128xf32, #tpu.memory_space<hbm>>) target_semaphore(%run_scoped3A : memref<!tpu.dma_semaphore, #tpu.memory_space<semaphore_mem>>)
      %dma_wait3A_148 = arith.constant 0 : i32
      %dma_wait3A_149 = tpu.memref_slice %arg6[%add3A_71, %dma_wait3A_148] : memref<16384x128xf32, #tpu.memory_space<hbm>> -> memref<128x128xf32, #tpu.memory_space<hbm>>
      %dma_wait3A_150 = arith.constant 0 : i32
      %dma_wait3A_151 = tpu.memref_slice %arg6[%add3A_71, %dma_wait3A_150] : memref<16384x128xf32, #tpu.memory_space<hbm>> -> memref<128x128xf32, #tpu.memory_space<hbm>>
      tpu.wait_dma2 semaphore(%run_scoped3A : memref<!tpu.dma_semaphore, #tpu.memory_space<semaphore_mem>>) src(%arg9 : memref<128x128xf32, #tpu.memory_space<vmem>>) dst(%dma_wait3A_151 : memref<128x128xf32, #tpu.memory_space<hbm>>)
      tpu.yield
    }) : () -> ()
    %dma_start3A_72 = arith.constant 2 : i32
    %dma_start3A_73 = arith.constant 0 : i32
    %dma_start3A_74 = tpu.memref_slice %arg7[%dma_start3A_72, %dma_start3A_73] : memref<4x128xi32, #tpu.memory_space<vmem>> -> memref<1x128xi32, #tpu.memory_space<vmem>>
    %dma_start3A_75 = tpu.memref_squeeze %dma_start3A_74 : memref<1x128xi32, #tpu.memory_space<vmem>> -> memref<128xi32, #tpu.memory_space<vmem>>
    %dma_start3A_76 = arith.constant 0 : i32
    %dma_start3A_77 = arith.constant 0 : i32
    %dma_start3A_78 = tpu.memref_slice %arg4[%dma_start3A_76, %dma_start3A_77] : memref<1000000x128xf32, #tpu.memory_space<hbm>> -> memref<1000000x128xf32, #tpu.memory_space<hbm>>
    tpu.enqueue_indirect_dma source(%dma_start3A_78 : memref<1000000x128xf32, #tpu.memory_space<hbm>>) target(%arg9 : memref<128x128xf32, #tpu.memory_space<vmem>>) offsets(%dma_start3A_75 : memref<128xi32, #tpu.memory_space<vmem>>) semaphore(%arg11 : memref<!tpu.dma_semaphore, #tpu.memory_space<semaphore_mem>>)
    %dma_start3A_79 = arith.constant 2 : i32
    %dma_start3A_80 = arith.constant 0 : i32
    %dma_start3A_81 = tpu.memref_slice %arg8[%dma_start3A_79, %dma_start3A_80] : memref<4x128xi32, #tpu.memory_space<vmem>> -> memref<1x128xi32, #tpu.memory_space<vmem>>
    %dma_start3A_82 = tpu.memref_squeeze %dma_start3A_81 : memref<1x128xi32, #tpu.memory_space<vmem>> -> memref<128xi32, #tpu.memory_space<vmem>>
    %dma_start3A_83 = arith.constant 0 : i32
    %dma_start3A_84 = arith.constant 0 : i32
    %dma_start3A_85 = tpu.memref_slice %arg5[%dma_start3A_83, %dma_start3A_84] : memref<1000000x128xf32, #tpu.memory_space<hbm>> -> memref<1000000x128xf32, #tpu.memory_space<hbm>>
    tpu.enqueue_indirect_dma source(%dma_start3A_85 : memref<1000000x128xf32, #tpu.memory_space<hbm>>) target(%arg10 : memref<128x128xf32, #tpu.memory_space<vmem>>) offsets(%dma_start3A_82 : memref<128xi32, #tpu.memory_space<vmem>>) semaphore(%arg12 : memref<!tpu.dma_semaphore, #tpu.memory_space<semaphore_mem>>)
    %dma_wait3A_86 = arith.constant 2 : i32
    %dma_wait3A_87 = arith.constant 0 : i32
    %dma_wait3A_88 = tpu.memref_slice %arg7[%dma_wait3A_86, %dma_wait3A_87] : memref<4x128xi32, #tpu.memory_space<vmem>> -> memref<1x128xi32, #tpu.memory_space<vmem>>
    %dma_wait3A_89 = tpu.memref_squeeze %dma_wait3A_88 : memref<1x128xi32, #tpu.memory_space<vmem>> -> memref<128xi32, #tpu.memory_space<vmem>>
    %dma_wait3A_90 = arith.constant 0 : i32
    %dma_wait3A_91 = arith.constant 0 : i32
    %dma_wait3A_92 = tpu.memref_slice %arg4[%dma_wait3A_90, %dma_wait3A_91] : memref<1000000x128xf32, #tpu.memory_space<hbm>> -> memref<1000000x128xf32, #tpu.memory_space<hbm>>
    tpu.wait_indirect_dma semaphore(%arg11 : memref<!tpu.dma_semaphore, #tpu.memory_space<semaphore_mem>>) src(%dma_wait3A_92 : memref<1000000x128xf32, #tpu.memory_space<hbm>>) dst(%arg9 : memref<128x128xf32, #tpu.memory_space<vmem>>)
    %dma_wait3A_93 = arith.constant 2 : i32
    %dma_wait3A_94 = arith.constant 0 : i32
    %dma_wait3A_95 = tpu.memref_slice %arg8[%dma_wait3A_93, %dma_wait3A_94] : memref<4x128xi32, #tpu.memory_space<vmem>> -> memref<1x128xi32, #tpu.memory_space<vmem>>
    %dma_wait3A_96 = tpu.memref_squeeze %dma_wait3A_95 : memref<1x128xi32, #tpu.memory_space<vmem>> -> memref<128xi32, #tpu.memory_space<vmem>>
    %dma_wait3A_97 = arith.constant 0 : i32
    %dma_wait3A_98 = arith.constant 0 : i32
    %dma_wait3A_99 = tpu.memref_slice %arg5[%dma_wait3A_97, %dma_wait3A_98] : memref<1000000x128xf32, #tpu.memory_space<hbm>> -> memref<1000000x128xf32, #tpu.memory_space<hbm>>
    tpu.wait_indirect_dma semaphore(%arg12 : memref<!tpu.dma_semaphore, #tpu.memory_space<semaphore_mem>>) src(%dma_wait3A_99 : memref<1000000x128xf32, #tpu.memory_space<hbm>>) dst(%arg10 : memref<128x128xf32, #tpu.memory_space<vmem>>)
    %scan3A_100 = arith.constant 0 : i32
    %scan3A_101 = arith.constant 0 : i32
    %scan3A_102 = arith.constant 128 : i32
    %scan3A_103 = arith.addi %scan3A_101, %scan3A_102 : i32
    %scan3A_104 = arith.constant 1 : i32
    scf.for %scan3A_144 = %scan3A_101 to %scan3A_103 step %scan3A_104  : i32 {
      %get3A = arith.index_cast %scan3A_144 : i32 to index
      %get3A_145 = arith.constant 0 : index
      %get3A_146 = tpu.vector_load %arg9[%get3A, %get3A_145] {strides = array<i32>} : memref<128x128xf32, #tpu.memory_space<vmem>>, vector<1x16xf32>,
      %get3A_147 = vector.shape_cast %get3A_146 : vector<1x16xf32> to vector<16xf32>
      %get3A_148 = arith.index_cast %scan3A_144 : i32 to index
      %get3A_149 = arith.constant 0 : index
      %get3A_150 = tpu.vector_load %arg10[%get3A_148, %get3A_149] {strides = array<i32>} : memref<128x128xf32, #tpu.memory_space<vmem>>, vector<1x16xf32>,
      %get3A_151 = vector.shape_cast %get3A_150 : vector<1x16xf32> to vector<16xf32>
      %mul3A_152 = arith.mulf %get3A_147, %get3A_151 : vector<16xf32>
      %swap3A = arith.index_cast %scan3A_144 : i32 to index
      %swap3A_153 = arith.constant 0 : index
      %swap3A_154 = tpu.vector_load %arg9[%swap3A, %swap3A_153] {strides = array<i32>} : memref<128x128xf32, #tpu.memory_space<vmem>>, vector<1x16xf32>,
      %swap3A_155 = vector.shape_cast %swap3A_154 : vector<1x16xf32> to vector<16xf32>
      %swap3A_156 = vector.shape_cast %mul3A_152 : vector<16xf32> to vector<1x16xf32>
      tpu.vector_store %arg9[%swap3A, %swap3A_153], %swap3A_156 {strides = array<i32>} : memref<128x128xf32, #tpu.memory_space<vmem>>, vector<1x16xf32>,
      %get3A_157 = arith.index_cast %scan3A_144 : i32 to index
      %get3A_158 = arith.constant 16 : index
      %get3A_159 = tpu.vector_load %arg9[%get3A_157, %get3A_158] {strides = array<i32>} : memref<128x128xf32, #tpu.memory_space<vmem>>, vector<1x16xf32>,
      %get3A_160 = vector.shape_cast %get3A_159 : vector<1x16xf32> to vector<16xf32>
      %get3A_161 = arith.index_cast %scan3A_144 : i32 to index
      %get3A_162 = arith.constant 16 : index
      %get3A_163 = tpu.vector_load %arg10[%get3A_161, %get3A_162] {strides = array<i32>} : memref<128x128xf32, #tpu.memory_space<vmem>>, vector<1x16xf32>,
      %get3A_164 = vector.shape_cast %get3A_163 : vector<1x16xf32> to vector<16xf32>
      %mul3A_165 = arith.mulf %get3A_160, %get3A_164 : vector<16xf32>
      %swap3A_166 = arith.index_cast %scan3A_144 : i32 to index
      %swap3A_167 = arith.constant 16 : index
      %swap3A_168 = tpu.vector_load %arg9[%swap3A_166, %swap3A_167] {strides = array<i32>} : memref<128x128xf32, #tpu.memory_space<vmem>>, vector<1x16xf32>,
      %swap3A_169 = vector.shape_cast %swap3A_168 : vector<1x16xf32> to vector<16xf32>
      %swap3A_170 = vector.shape_cast %mul3A_165 : vector<16xf32> to vector<1x16xf32>
      tpu.vector_store %arg9[%swap3A_166, %swap3A_167], %swap3A_170 {strides = array<i32>} : memref<128x128xf32, #tpu.memory_space<vmem>>, vector<1x16xf32>,
      %get3A_171 = arith.index_cast %scan3A_144 : i32 to index
      %get3A_172 = arith.constant 32 : index
      %get3A_173 = tpu.vector_load %arg9[%get3A_171, %get3A_172] {strides = array<i32>} : memref<128x128xf32, #tpu.memory_space<vmem>>, vector<1x16xf32>,
      %get3A_174 = vector.shape_cast %get3A_173 : vector<1x16xf32> to vector<16xf32>
      %get3A_175 = arith.index_cast %scan3A_144 : i32 to index
      %get3A_176 = arith.constant 32 : index
      %get3A_177 = tpu.vector_load %arg10[%get3A_175, %get3A_176] {strides = array<i32>} : memref<128x128xf32, #tpu.memory_space<vmem>>, vector<1x16xf32>,
      %get3A_178 = vector.shape_cast %get3A_177 : vector<1x16xf32> to vector<16xf32>
      %mul3A_179 = arith.mulf %get3A_174, %get3A_178 : vector<16xf32>
      %swap3A_180 = arith.index_cast %scan3A_144 : i32 to index
      %swap3A_181 = arith.constant 32 : index
      %swap3A_182 = tpu.vector_load %arg9[%swap3A_180, %swap3A_181] {strides = array<i32>} : memref<128x128xf32, #tpu.memory_space<vmem>>, vector<1x16xf32>,
      %swap3A_183 = vector.shape_cast %swap3A_182 : vector<1x16xf32> to vector<16xf32>
      %swap3A_184 = vector.shape_cast %mul3A_179 : vector<16xf32> to vector<1x16xf32>
      tpu.vector_store %arg9[%swap3A_180, %swap3A_181], %swap3A_184 {strides = array<i32>} : memref<128x128xf32, #tpu.memory_space<vmem>>, vector<1x16xf32>,
      %get3A_185 = arith.index_cast %scan3A_144 : i32 to index
      %get3A_186 = arith.constant 48 : index
      %get3A_187 = tpu.vector_load %arg9[%get3A_185, %get3A_186] {strides = array<i32>} : memref<128x128xf32, #tpu.memory_space<vmem>>, vector<1x16xf32>,
      %get3A_188 = vector.shape_cast %get3A_187 : vector<1x16xf32> to vector<16xf32>
      %get3A_189 = arith.index_cast %scan3A_144 : i32 to index
      %get3A_190 = arith.constant 48 : index
      %get3A_191 = tpu.vector_load %arg10[%get3A_189, %get3A_190] {strides = array<i32>} : memref<128x128xf32, #tpu.memory_space<vmem>>, vector<1x16xf32>,
      %get3A_192 = vector.shape_cast %get3A_191 : vector<1x16xf32> to vector<16xf32>
      %mul3A_193 = arith.mulf %get3A_188, %get3A_192 : vector<16xf32>
      %swap3A_194 = arith.index_cast %scan3A_144 : i32 to index
      %swap3A_195 = arith.constant 48 : index
      %swap3A_196 = tpu.vector_load %arg9[%swap3A_194, %swap3A_195] {strides = array<i32>} : memref<128x128xf32, #tpu.memory_space<vmem>>, vector<1x16xf32>,
      %swap3A_197 = vector.shape_cast %swap3A_196 : vector<1x16xf32> to vector<16xf32>
      %swap3A_198 = vector.shape_cast %mul3A_193 : vector<16xf32> to vector<1x16xf32>
      tpu.vector_store %arg9[%swap3A_194, %swap3A_195], %swap3A_198 {strides = array<i32>} : memref<128x128xf32, #tpu.memory_space<vmem>>, vector<1x16xf32>,
      %get3A_199 = arith.index_cast %scan3A_144 : i32 to index
      %get3A_200 = arith.constant 64 : index
      %get3A_201 = tpu.vector_load %arg9[%get3A_199, %get3A_200] {strides = array<i32>} : memref<128x128xf32, #tpu.memory_space<vmem>>, vector<1x16xf32>,
      %get3A_202 = vector.shape_cast %get3A_201 : vector<1x16xf32> to vector<16xf32>
      %get3A_203 = arith.index_cast %scan3A_144 : i32 to index
      %get3A_204 = arith.constant 64 : index
      %get3A_205 = tpu.vector_load %arg10[%get3A_203, %get3A_204] {strides = array<i32>} : memref<128x128xf32, #tpu.memory_space<vmem>>, vector<1x16xf32>,
      %get3A_206 = vector.shape_cast %get3A_205 : vector<1x16xf32> to vector<16xf32>
      %mul3A_207 = arith.mulf %get3A_202, %get3A_206 : vector<16xf32>
      %swap3A_208 = arith.index_cast %scan3A_144 : i32 to index
      %swap3A_209 = arith.constant 64 : index
      %swap3A_210 = tpu.vector_load %arg9[%swap3A_208, %swap3A_209] {strides = array<i32>} : memref<128x128xf32, #tpu.memory_space<vmem>>, vector<1x16xf32>,
      %swap3A_211 = vector.shape_cast %swap3A_210 : vector<1x16xf32> to vector<16xf32>
      %swap3A_212 = vector.shape_cast %mul3A_207 : vector<16xf32> to vector<1x16xf32>
      tpu.vector_store %arg9[%swap3A_208, %swap3A_209], %swap3A_212 {strides = array<i32>} : memref<128x128xf32, #tpu.memory_space<vmem>>, vector<1x16xf32>,
      %get3A_213 = arith.index_cast %scan3A_144 : i32 to index
      %get3A_214 = arith.constant 80 : index
      %get3A_215 = tpu.vector_load %arg9[%get3A_213, %get3A_214] {strides = array<i32>} : memref<128x128xf32, #tpu.memory_space<vmem>>, vector<1x16xf32>,
      %get3A_216 = vector.shape_cast %get3A_215 : vector<1x16xf32> to vector<16xf32>
      %get3A_217 = arith.index_cast %scan3A_144 : i32 to index
      %get3A_218 = arith.constant 80 : index
      %get3A_219 = tpu.vector_load %arg10[%get3A_217, %get3A_218] {strides = array<i32>} : memref<128x128xf32, #tpu.memory_space<vmem>>, vector<1x16xf32>,
      %get3A_220 = vector.shape_cast %get3A_219 : vector<1x16xf32> to vector<16xf32>
      %mul3A_221 = arith.mulf %get3A_216, %get3A_220 : vector<16xf32>
      %swap3A_222 = arith.index_cast %scan3A_144 : i32 to index
      %swap3A_223 = arith.constant 80 : index
      %swap3A_224 = tpu.vector_load %arg9[%swap3A_222, %swap3A_223] {strides = array<i32>} : memref<128x128xf32, #tpu.memory_space<vmem>>, vector<1x16xf32>,
      %swap3A_225 = vector.shape_cast %swap3A_224 : vector<1x16xf32> to vector<16xf32>
      %swap3A_226 = vector.shape_cast %mul3A_221 : vector<16xf32> to vector<1x16xf32>
      tpu.vector_store %arg9[%swap3A_222, %swap3A_223], %swap3A_226 {strides = array<i32>} : memref<128x128xf32, #tpu.memory_space<vmem>>, vector<1x16xf32>,
      %get3A_227 = arith.index_cast %scan3A_144 : i32 to index
      %get3A_228 = arith.constant 96 : index
      %get3A_229 = tpu.vector_load %arg9[%get3A_227, %get3A_228] {strides = array<i32>} : memref<128x128xf32, #tpu.memory_space<vmem>>, vector<1x16xf32>,
      %get3A_230 = vector.shape_cast %get3A_229 : vector<1x16xf32> to vector<16xf32>
      %get3A_231 = arith.index_cast %scan3A_144 : i32 to index
      %get3A_232 = arith.constant 96 : index
      %get3A_233 = tpu.vector_load %arg10[%get3A_231, %get3A_232] {strides = array<i32>} : memref<128x128xf32, #tpu.memory_space<vmem>>, vector<1x16xf32>,
      %get3A_234 = vector.shape_cast %get3A_233 : vector<1x16xf32> to vector<16xf32>
      %mul3A_235 = arith.mulf %get3A_230, %get3A_234 : vector<16xf32>
      %swap3A_236 = arith.index_cast %scan3A_144 : i32 to index
      %swap3A_237 = arith.constant 96 : index
      %swap3A_238 = tpu.vector_load %arg9[%swap3A_236, %swap3A_237] {strides = array<i32>} : memref<128x128xf32, #tpu.memory_space<vmem>>, vector<1x16xf32>,
      %swap3A_239 = vector.shape_cast %swap3A_238 : vector<1x16xf32> to vector<16xf32>
      %swap3A_240 = vector.shape_cast %mul3A_235 : vector<16xf32> to vector<1x16xf32>
      tpu.vector_store %arg9[%swap3A_236, %swap3A_237], %swap3A_240 {strides = array<i32>} : memref<128x128xf32, #tpu.memory_space<vmem>>, vector<1x16xf32>,
      %get3A_241 = arith.index_cast %scan3A_144 : i32 to index
      %get3A_242 = arith.constant 112 : index
      %get3A_243 = tpu.vector_load %arg9[%get3A_241, %get3A_242] {strides = array<i32>} : memref<128x128xf32, #tpu.memory_space<vmem>>, vector<1x16xf32>,
      %get3A_244 = vector.shape_cast %get3A_243 : vector<1x16xf32> to vector<16xf32>
      %get3A_245 = arith.index_cast %scan3A_144 : i32 to index
      %get3A_246 = arith.constant 112 : index
      %get3A_247 = tpu.vector_load %arg10[%get3A_245, %get3A_246] {strides = array<i32>} : memref<128x128xf32, #tpu.memory_space<vmem>>, vector<1x16xf32>,
      %get3A_248 = vector.shape_cast %get3A_247 : vector<1x16xf32> to vector<16xf32>
      %mul3A_249 = arith.mulf %get3A_244, %get3A_248 : vector<16xf32>
      %swap3A_250 = arith.index_cast %scan3A_144 : i32 to index
      %swap3A_251 = arith.constant 112 : index
      %swap3A_252 = tpu.vector_load %arg9[%swap3A_250, %swap3A_251] {strides = array<i32>} : memref<128x128xf32, #tpu.memory_space<vmem>>, vector<1x16xf32>,
      %swap3A_253 = vector.shape_cast %swap3A_252 : vector<1x16xf32> to vector<16xf32>
      %swap3A_254 = vector.shape_cast %mul3A_249 : vector<16xf32> to vector<1x16xf32>
      tpu.vector_store %arg9[%swap3A_250, %swap3A_251], %swap3A_254 {strides = array<i32>} : memref<128x128xf32, #tpu.memory_space<vmem>>, vector<1x16xf32>,
    }
    %scan3A_105 = arith.constant 128 : i32
    %add3A_106 = arith.constant 256 : i32
    %add3A_107 = arith.addi %mul3A_2, %add3A_106 : i32
    "tpu.region"() ({
      %run_scoped3A = tpu.sem_alloc : memref<!tpu.dma_semaphore, #tpu.memory_space<semaphore_mem>>
      %dma_start3A_144 = arith.constant 0 : i32
      %dma_start3A_145 = tpu.memref_slice %arg6[%add3A_107, %dma_start3A_144] : memref<16384x128xf32, #tpu.memory_space<hbm>> -> memref<128x128xf32, #tpu.memory_space<hbm>>
      %dma_start3A_146 = arith.constant 0 : i32
      %dma_start3A_147 = tpu.memref_slice %arg6[%add3A_107, %dma_start3A_146] : memref<16384x128xf32, #tpu.memory_space<hbm>> -> memref<128x128xf32, #tpu.memory_space<hbm>>
      tpu.enqueue_dma source(%arg9 : memref<128x128xf32, #tpu.memory_space<vmem>>) target(%dma_start3A_147 : memref<128x128xf32, #tpu.memory_space<hbm>>) target_semaphore(%run_scoped3A : memref<!tpu.dma_semaphore, #tpu.memory_space<semaphore_mem>>)
      %dma_wait3A_148 = arith.constant 0 : i32
      %dma_wait3A_149 = tpu.memref_slice %arg6[%add3A_107, %dma_wait3A_148] : memref<16384x128xf32, #tpu.memory_space<hbm>> -> memref<128x128xf32, #tpu.memory_space<hbm>>
      %dma_wait3A_150 = arith.constant 0 : i32
      %dma_wait3A_151 = tpu.memref_slice %arg6[%add3A_107, %dma_wait3A_150] : memref<16384x128xf32, #tpu.memory_space<hbm>> -> memref<128x128xf32, #tpu.memory_space<hbm>>
      tpu.wait_dma2 semaphore(%run_scoped3A : memref<!tpu.dma_semaphore, #tpu.memory_space<semaphore_mem>>) src(%arg9 : memref<128x128xf32, #tpu.memory_space<vmem>>) dst(%dma_wait3A_151 : memref<128x128xf32, #tpu.memory_space<hbm>>)
      tpu.yield
    }) : () -> ()
    %dma_start3A_108 = arith.constant 3 : i32
    %dma_start3A_109 = arith.constant 0 : i32
    %dma_start3A_110 = tpu.memref_slice %arg7[%dma_start3A_108, %dma_start3A_109] : memref<4x128xi32, #tpu.memory_space<vmem>> -> memref<1x128xi32, #tpu.memory_space<vmem>>
    %dma_start3A_111 = tpu.memref_squeeze %dma_start3A_110 : memref<1x128xi32, #tpu.memory_space<vmem>> -> memref<128xi32, #tpu.memory_space<vmem>>
    %dma_start3A_112 = arith.constant 0 : i32
    %dma_start3A_113 = arith.constant 0 : i32
    %dma_start3A_114 = tpu.memref_slice %arg4[%dma_start3A_112, %dma_start3A_113] : memref<1000000x128xf32, #tpu.memory_space<hbm>> -> memref<1000000x128xf32, #tpu.memory_space<hbm>>
    tpu.enqueue_indirect_dma source(%dma_start3A_114 : memref<1000000x128xf32, #tpu.memory_space<hbm>>) target(%arg9 : memref<128x128xf32, #tpu.memory_space<vmem>>) offsets(%dma_start3A_111 : memref<128xi32, #tpu.memory_space<vmem>>) semaphore(%arg11 : memref<!tpu.dma_semaphore, #tpu.memory_space<semaphore_mem>>)
    %dma_start3A_115 = arith.constant 3 : i32
    %dma_start3A_116 = arith.constant 0 : i32
    %dma_start3A_117 = tpu.memref_slice %arg8[%dma_start3A_115, %dma_start3A_116] : memref<4x128xi32, #tpu.memory_space<vmem>> -> memref<1x128xi32, #tpu.memory_space<vmem>>
    %dma_start3A_118 = tpu.memref_squeeze %dma_start3A_117 : memref<1x128xi32, #tpu.memory_space<vmem>> -> memref<128xi32, #tpu.memory_space<vmem>>
    %dma_start3A_119 = arith.constant 0 : i32
    %dma_start3A_120 = arith.constant 0 : i32
    %dma_start3A_121 = tpu.memref_slice %arg5[%dma_start3A_119, %dma_start3A_120] : memref<1000000x128xf32, #tpu.memory_space<hbm>> -> memref<1000000x128xf32, #tpu.memory_space<hbm>>
    tpu.enqueue_indirect_dma source(%dma_start3A_121 : memref<1000000x128xf32, #tpu.memory_space<hbm>>) target(%arg10 : memref<128x128xf32, #tpu.memory_space<vmem>>) offsets(%dma_start3A_118 : memref<128xi32, #tpu.memory_space<vmem>>) semaphore(%arg12 : memref<!tpu.dma_semaphore, #tpu.memory_space<semaphore_mem>>)
    %dma_wait3A_122 = arith.constant 3 : i32
    %dma_wait3A_123 = arith.constant 0 : i32
    %dma_wait3A_124 = tpu.memref_slice %arg7[%dma_wait3A_122, %dma_wait3A_123] : memref<4x128xi32, #tpu.memory_space<vmem>> -> memref<1x128xi32, #tpu.memory_space<vmem>>
    %dma_wait3A_125 = tpu.memref_squeeze %dma_wait3A_124 : memref<1x128xi32, #tpu.memory_space<vmem>> -> memref<128xi32, #tpu.memory_space<vmem>>
    %dma_wait3A_126 = arith.constant 0 : i32
    %dma_wait3A_127 = arith.constant 0 : i32
    %dma_wait3A_128 = tpu.memref_slice %arg4[%dma_wait3A_126, %dma_wait3A_127] : memref<1000000x128xf32, #tpu.memory_space<hbm>> -> memref<1000000x128xf32, #tpu.memory_space<hbm>>
    tpu.wait_indirect_dma semaphore(%arg11 : memref<!tpu.dma_semaphore, #tpu.memory_space<semaphore_mem>>) src(%dma_wait3A_128 : memref<1000000x128xf32, #tpu.memory_space<hbm>>) dst(%arg9 : memref<128x128xf32, #tpu.memory_space<vmem>>)
    %dma_wait3A_129 = arith.constant 3 : i32
    %dma_wait3A_130 = arith.constant 0 : i32
    %dma_wait3A_131 = tpu.memref_slice %arg8[%dma_wait3A_129, %dma_wait3A_130] : memref<4x128xi32, #tpu.memory_space<vmem>> -> memref<1x128xi32, #tpu.memory_space<vmem>>
    %dma_wait3A_132 = tpu.memref_squeeze %dma_wait3A_131 : memref<1x128xi32, #tpu.memory_space<vmem>> -> memref<128xi32, #tpu.memory_space<vmem>>
    %dma_wait3A_133 = arith.constant 0 : i32
    %dma_wait3A_134 = arith.constant 0 : i32
    %dma_wait3A_135 = tpu.memref_slice %arg5[%dma_wait3A_133, %dma_wait3A_134] : memref<1000000x128xf32, #tpu.memory_space<hbm>> -> memref<1000000x128xf32, #tpu.memory_space<hbm>>
    tpu.wait_indirect_dma semaphore(%arg12 : memref<!tpu.dma_semaphore, #tpu.memory_space<semaphore_mem>>) src(%dma_wait3A_135 : memref<1000000x128xf32, #tpu.memory_space<hbm>>) dst(%arg10 : memref<128x128xf32, #tpu.memory_space<vmem>>)
    %scan3A_136 = arith.constant 0 : i32
    %scan3A_137 = arith.constant 0 : i32
    %scan3A_138 = arith.constant 128 : i32
    %scan3A_139 = arith.addi %scan3A_137, %scan3A_138 : i32
    %scan3A_140 = arith.constant 1 : i32
    scf.for %scan3A_144 = %scan3A_137 to %scan3A_139 step %scan3A_140  : i32 {
      %get3A = arith.index_cast %scan3A_144 : i32 to index
      %get3A_145 = arith.constant 0 : index
      %get3A_146 = tpu.vector_load %arg9[%get3A, %get3A_145] {strides = array<i32>} : memref<128x128xf32, #tpu.memory_space<vmem>>, vector<1x16xf32>,
      %get3A_147 = vector.shape_cast %get3A_146 : vector<1x16xf32> to vector<16xf32>
      %get3A_148 = arith.index_cast %scan3A_144 : i32 to index
      %get3A_149 = arith.constant 0 : index
      %get3A_150 = tpu.vector_load %arg10[%get3A_148, %get3A_149] {strides = array<i32>} : memref<128x128xf32, #tpu.memory_space<vmem>>, vector<1x16xf32>,
      %get3A_151 = vector.shape_cast %get3A_150 : vector<1x16xf32> to vector<16xf32>
      %mul3A_152 = arith.mulf %get3A_147, %get3A_151 : vector<16xf32>
      %swap3A = arith.index_cast %scan3A_144 : i32 to index
      %swap3A_153 = arith.constant 0 : index
      %swap3A_154 = tpu.vector_load %arg9[%swap3A, %swap3A_153] {strides = array<i32>} : memref<128x128xf32, #tpu.memory_space<vmem>>, vector<1x16xf32>,
      %swap3A_155 = vector.shape_cast %swap3A_154 : vector<1x16xf32> to vector<16xf32>
      %swap3A_156 = vector.shape_cast %mul3A_152 : vector<16xf32> to vector<1x16xf32>
      tpu.vector_store %arg9[%swap3A, %swap3A_153], %swap3A_156 {strides = array<i32>} : memref<128x128xf32, #tpu.memory_space<vmem>>, vector<1x16xf32>,
      %get3A_157 = arith.index_cast %scan3A_144 : i32 to index
      %get3A_158 = arith.constant 16 : index
      %get3A_159 = tpu.vector_load %arg9[%get3A_157, %get3A_158] {strides = array<i32>} : memref<128x128xf32, #tpu.memory_space<vmem>>, vector<1x16xf32>,
      %get3A_160 = vector.shape_cast %get3A_159 : vector<1x16xf32> to vector<16xf32>
      %get3A_161 = arith.index_cast %scan3A_144 : i32 to index
      %get3A_162 = arith.constant 16 : index
      %get3A_163 = tpu.vector_load %arg10[%get3A_161, %get3A_162] {strides = array<i32>} : memref<128x128xf32, #tpu.memory_space<vmem>>, vector<1x16xf32>,
      %get3A_164 = vector.shape_cast %get3A_163 : vector<1x16xf32> to vector<16xf32>
      %mul3A_165 = arith.mulf %get3A_160, %get3A_164 : vector<16xf32>
      %swap3A_166 = arith.index_cast %scan3A_144 : i32 to index
      %swap3A_167 = arith.constant 16 : index
      %swap3A_168 = tpu.vector_load %arg9[%swap3A_166, %swap3A_167] {strides = array<i32>} : memref<128x128xf32, #tpu.memory_space<vmem>>, vector<1x16xf32>,
      %swap3A_169 = vector.shape_cast %swap3A_168 : vector<1x16xf32> to vector<16xf32>
      %swap3A_170 = vector.shape_cast %mul3A_165 : vector<16xf32> to vector<1x16xf32>
      tpu.vector_store %arg9[%swap3A_166, %swap3A_167], %swap3A_170 {strides = array<i32>} : memref<128x128xf32, #tpu.memory_space<vmem>>, vector<1x16xf32>,
      %get3A_171 = arith.index_cast %scan3A_144 : i32 to index
      %get3A_172 = arith.constant 32 : index
      %get3A_173 = tpu.vector_load %arg9[%get3A_171, %get3A_172] {strides = array<i32>} : memref<128x128xf32, #tpu.memory_space<vmem>>, vector<1x16xf32>,
      %get3A_174 = vector.shape_cast %get3A_173 : vector<1x16xf32> to vector<16xf32>
      %get3A_175 = arith.index_cast %scan3A_144 : i32 to index
      %get3A_176 = arith.constant 32 : index
      %get3A_177 = tpu.vector_load %arg10[%get3A_175, %get3A_176] {strides = array<i32>} : memref<128x128xf32, #tpu.memory_space<vmem>>, vector<1x16xf32>,
      %get3A_178 = vector.shape_cast %get3A_177 : vector<1x16xf32> to vector<16xf32>
      %mul3A_179 = arith.mulf %get3A_174, %get3A_178 : vector<16xf32>
      %swap3A_180 = arith.index_cast %scan3A_144 : i32 to index
      %swap3A_181 = arith.constant 32 : index
      %swap3A_182 = tpu.vector_load %arg9[%swap3A_180, %swap3A_181] {strides = array<i32>} : memref<128x128xf32, #tpu.memory_space<vmem>>, vector<1x16xf32>,
      %swap3A_183 = vector.shape_cast %swap3A_182 : vector<1x16xf32> to vector<16xf32>
      %swap3A_184 = vector.shape_cast %mul3A_179 : vector<16xf32> to vector<1x16xf32>
      tpu.vector_store %arg9[%swap3A_180, %swap3A_181], %swap3A_184 {strides = array<i32>} : memref<128x128xf32, #tpu.memory_space<vmem>>, vector<1x16xf32>,
      %get3A_185 = arith.index_cast %scan3A_144 : i32 to index
      %get3A_186 = arith.constant 48 : index
      %get3A_187 = tpu.vector_load %arg9[%get3A_185, %get3A_186] {strides = array<i32>} : memref<128x128xf32, #tpu.memory_space<vmem>>, vector<1x16xf32>,
      %get3A_188 = vector.shape_cast %get3A_187 : vector<1x16xf32> to vector<16xf32>
      %get3A_189 = arith.index_cast %scan3A_144 : i32 to index
      %get3A_190 = arith.constant 48 : index
      %get3A_191 = tpu.vector_load %arg10[%get3A_189, %get3A_190] {strides = array<i32>} : memref<128x128xf32, #tpu.memory_space<vmem>>, vector<1x16xf32>,
      %get3A_192 = vector.shape_cast %get3A_191 : vector<1x16xf32> to vector<16xf32>
      %mul3A_193 = arith.mulf %get3A_188, %get3A_192 : vector<16xf32>
      %swap3A_194 = arith.index_cast %scan3A_144 : i32 to index
      %swap3A_195 = arith.constant 48 : index
      %swap3A_196 = tpu.vector_load %arg9[%swap3A_194, %swap3A_195] {strides = array<i32>} : memref<128x128xf32, #tpu.memory_space<vmem>>, vector<1x16xf32>,
      %swap3A_197 = vector.shape_cast %swap3A_196 : vector<1x16xf32> to vector<16xf32>
      %swap3A_198 = vector.shape_cast %mul3A_193 : vector<16xf32> to vector<1x16xf32>
      tpu.vector_store %arg9[%swap3A_194, %swap3A_195], %swap3A_198 {strides = array<i32>} : memref<128x128xf32, #tpu.memory_space<vmem>>, vector<1x16xf32>,
      %get3A_199 = arith.index_cast %scan3A_144 : i32 to index
      %get3A_200 = arith.constant 64 : index
      %get3A_201 = tpu.vector_load %arg9[%get3A_199, %get3A_200] {strides = array<i32>} : memref<128x128xf32, #tpu.memory_space<vmem>>, vector<1x16xf32>,
      %get3A_202 = vector.shape_cast %get3A_201 : vector<1x16xf32> to vector<16xf32>
      %get3A_203 = arith.index_cast %scan3A_144 : i32 to index
      %get3A_204 = arith.constant 64 : index
      %get3A_205 = tpu.vector_load %arg10[%get3A_203, %get3A_204] {strides = array<i32>} : memref<128x128xf32, #tpu.memory_space<vmem>>, vector<1x16xf32>,
      %get3A_206 = vector.shape_cast %get3A_205 : vector<1x16xf32> to vector<16xf32>
      %mul3A_207 = arith.mulf %get3A_202, %get3A_206 : vector<16xf32>
      %swap3A_208 = arith.index_cast %scan3A_144 : i32 to index
      %swap3A_209 = arith.constant 64 : index
      %swap3A_210 = tpu.vector_load %arg9[%swap3A_208, %swap3A_209] {strides = array<i32>} : memref<128x128xf32, #tpu.memory_space<vmem>>, vector<1x16xf32>,
      %swap3A_211 = vector.shape_cast %swap3A_210 : vector<1x16xf32> to vector<16xf32>
      %swap3A_212 = vector.shape_cast %mul3A_207 : vector<16xf32> to vector<1x16xf32>
      tpu.vector_store %arg9[%swap3A_208, %swap3A_209], %swap3A_212 {strides = array<i32>} : memref<128x128xf32, #tpu.memory_space<vmem>>, vector<1x16xf32>,
      %get3A_213 = arith.index_cast %scan3A_144 : i32 to index
      %get3A_214 = arith.constant 80 : index
      %get3A_215 = tpu.vector_load %arg9[%get3A_213, %get3A_214] {strides = array<i32>} : memref<128x128xf32, #tpu.memory_space<vmem>>, vector<1x16xf32>,
      %get3A_216 = vector.shape_cast %get3A_215 : vector<1x16xf32> to vector<16xf32>
      %get3A_217 = arith.index_cast %scan3A_144 : i32 to index
      %get3A_218 = arith.constant 80 : index
      %get3A_219 = tpu.vector_load %arg10[%get3A_217, %get3A_218] {strides = array<i32>} : memref<128x128xf32, #tpu.memory_space<vmem>>, vector<1x16xf32>,
      %get3A_220 = vector.shape_cast %get3A_219 : vector<1x16xf32> to vector<16xf32>
      %mul3A_221 = arith.mulf %get3A_216, %get3A_220 : vector<16xf32>
      %swap3A_222 = arith.index_cast %scan3A_144 : i32 to index
      %swap3A_223 = arith.constant 80 : index
      %swap3A_224 = tpu.vector_load %arg9[%swap3A_222, %swap3A_223] {strides = array<i32>} : memref<128x128xf32, #tpu.memory_space<vmem>>, vector<1x16xf32>,
      %swap3A_225 = vector.shape_cast %swap3A_224 : vector<1x16xf32> to vector<16xf32>
      %swap3A_226 = vector.shape_cast %mul3A_221 : vector<16xf32> to vector<1x16xf32>
      tpu.vector_store %arg9[%swap3A_222, %swap3A_223], %swap3A_226 {strides = array<i32>} : memref<128x128xf32, #tpu.memory_space<vmem>>, vector<1x16xf32>,
      %get3A_227 = arith.index_cast %scan3A_144 : i32 to index
      %get3A_228 = arith.constant 96 : index
      %get3A_229 = tpu.vector_load %arg9[%get3A_227, %get3A_228] {strides = array<i32>} : memref<128x128xf32, #tpu.memory_space<vmem>>, vector<1x16xf32>,
      %get3A_230 = vector.shape_cast %get3A_229 : vector<1x16xf32> to vector<16xf32>
      %get3A_231 = arith.index_cast %scan3A_144 : i32 to index
      %get3A_232 = arith.constant 96 : index
      %get3A_233 = tpu.vector_load %arg10[%get3A_231, %get3A_232] {strides = array<i32>} : memref<128x128xf32, #tpu.memory_space<vmem>>, vector<1x16xf32>,
      %get3A_234 = vector.shape_cast %get3A_233 : vector<1x16xf32> to vector<16xf32>
      %mul3A_235 = arith.mulf %get3A_230, %get3A_234 : vector<16xf32>
      %swap3A_236 = arith.index_cast %scan3A_144 : i32 to index
      %swap3A_237 = arith.constant 96 : index
      %swap3A_238 = tpu.vector_load %arg9[%swap3A_236, %swap3A_237] {strides = array<i32>} : memref<128x128xf32, #tpu.memory_space<vmem>>, vector<1x16xf32>,
      %swap3A_239 = vector.shape_cast %swap3A_238 : vector<1x16xf32> to vector<16xf32>
      %swap3A_240 = vector.shape_cast %mul3A_235 : vector<16xf32> to vector<1x16xf32>
      tpu.vector_store %arg9[%swap3A_236, %swap3A_237], %swap3A_240 {strides = array<i32>} : memref<128x128xf32, #tpu.memory_space<vmem>>, vector<1x16xf32>,
      %get3A_241 = arith.index_cast %scan3A_144 : i32 to index
      %get3A_242 = arith.constant 112 : index
      %get3A_243 = tpu.vector_load %arg9[%get3A_241, %get3A_242] {strides = array<i32>} : memref<128x128xf32, #tpu.memory_space<vmem>>, vector<1x16xf32>,
      %get3A_244 = vector.shape_cast %get3A_243 : vector<1x16xf32> to vector<16xf32>
      %get3A_245 = arith.index_cast %scan3A_144 : i32 to index
      %get3A_246 = arith.constant 112 : index
      %get3A_247 = tpu.vector_load %arg10[%get3A_245, %get3A_246] {strides = array<i32>} : memref<128x128xf32, #tpu.memory_space<vmem>>, vector<1x16xf32>,
      %get3A_248 = vector.shape_cast %get3A_247 : vector<1x16xf32> to vector<16xf32>
      %mul3A_249 = arith.mulf %get3A_244, %get3A_248 : vector<16xf32>
      %swap3A_250 = arith.index_cast %scan3A_144 : i32 to index
      %swap3A_251 = arith.constant 112 : index
      %swap3A_252 = tpu.vector_load %arg9[%swap3A_250, %swap3A_251] {strides = array<i32>} : memref<128x128xf32, #tpu.memory_space<vmem>>, vector<1x16xf32>,
      %swap3A_253 = vector.shape_cast %swap3A_252 : vector<1x16xf32> to vector<16xf32>
      %swap3A_254 = vector.shape_cast %mul3A_249 : vector<16xf32> to vector<1x16xf32>
      tpu.vector_store %arg9[%swap3A_250, %swap3A_251], %swap3A_254 {strides = array<i32>} : memref<128x128xf32, #tpu.memory_space<vmem>>, vector<1x16xf32>,
    }
    %scan3A_141 = arith.constant 128 : i32
    %add3A_142 = arith.constant 384 : i32
    %add3A_143 = arith.addi %mul3A_2, %add3A_142 : i32
    "tpu.region"() ({
      %run_scoped3A = tpu.sem_alloc : memref<!tpu.dma_semaphore, #tpu.memory_space<semaphore_mem>>
      %dma_start3A_144 = arith.constant 0 : i32
      %dma_start3A_145 = tpu.memref_slice %arg6[%add3A_143, %dma_start3A_144] : memref<16384x128xf32, #tpu.memory_space<hbm>> -> memref<128x128xf32, #tpu.memory_space<hbm>>
      %dma_start3A_146 = arith.constant 0 : i32
      %dma_start3A_147 = tpu.memref_slice %arg6[%add3A_143, %dma_start3A_146] : memref<16384x128xf32, #tpu.memory_space<hbm>> -> memref<128x128xf32, #tpu.memory_space<hbm>>
      tpu.enqueue_dma source(%arg9 : memref<128x128xf32, #tpu.memory_space<vmem>>) target(%dma_start3A_147 : memref<128x128xf32, #tpu.memory_space<hbm>>) target_semaphore(%run_scoped3A : memref<!tpu.dma_semaphore, #tpu.memory_space<semaphore_mem>>)
      %dma_wait3A_148 = arith.constant 0 : i32
      %dma_wait3A_149 = tpu.memref_slice %arg6[%add3A_143, %dma_wait3A_148] : memref<16384x128xf32, #tpu.memory_space<hbm>> -> memref<128x128xf32, #tpu.memory_space<hbm>>
      %dma_wait3A_150 = arith.constant 0 : i32
      %dma_wait3A_151 = tpu.memref_slice %arg6[%add3A_143, %dma_wait3A_150] : memref<16384x128xf32, #tpu.memory_space<hbm>> -> memref<128x128xf32, #tpu.memory_space<hbm>>
      tpu.wait_dma2 semaphore(%run_scoped3A : memref<!tpu.dma_semaphore, #tpu.memory_space<semaphore_mem>>) src(%arg9 : memref<128x128xf32, #tpu.memory_space<vmem>>) dst(%dma_wait3A_151 : memref<128x128xf32, #tpu.memory_space<hbm>>)
      tpu.yield
    }) : () -> ()
    return
  }
}

module attributes {stable_mosaic.version = 14 : i64} {
  func.func @_mlp_body(%arg0: i32, %arg1: memref<2048x128xf32, #tpu.memory_space<vmem>>, %arg2: memref<128x128xf32, #tpu.memory_space<vmem>>, %arg3: memref<1x128xf32, #tpu.memory_space<vmem>>, %arg4: memref<128x128xf32, #tpu.memory_space<vmem>>, %arg5: memref<1x128xf32, #tpu.memory_space<vmem>>, %arg6: memref<128x128xf32, #tpu.memory_space<vmem>>, %arg7: memref<1xf32, #tpu.memory_space<smem>>, %arg8: memref<1xf32, #tpu.memory_space<smem>>, %arg9: memref<2048xf32, #tpu.memory_space<vmem>>, %arg10: memref<2048xf32, #tpu.memory_space<vmem>>) attributes {dimension_semantics = [#tpu.dimension_semantics<arbitrary>], iteration_bounds = array<i64: 8>, scalar_prefetch = 0 : i64, scratch_operands = 0 : i64, tpu.core_type = #tpu.core_type<tc>, window_params = [{transform_indices = @transform_0, window_bounds = array<i64: 2048, 128>}, {pipeline_mode = #tpu.pipeline_mode<synchronous>, transform_indices = @transform_1, window_bounds = array<i64: 128, 128>}, {pipeline_mode = #tpu.pipeline_mode<synchronous>, transform_indices = @transform_2, window_bounds = array<i64: 1, 128>}, {pipeline_mode = #tpu.pipeline_mode<synchronous>, transform_indices = @transform_3, window_bounds = array<i64: 128, 128>}, {pipeline_mode = #tpu.pipeline_mode<synchronous>, transform_indices = @transform_4, window_bounds = array<i64: 1, 128>}, {pipeline_mode = #tpu.pipeline_mode<synchronous>, transform_indices = @transform_5, window_bounds = array<i64: 128, 128>}, {transform_indices = @transform_6, window_bounds = array<i64: 1>}, {transform_indices = @transform_7, window_bounds = array<i64: 1>}, {transform_indices = @transform_8, window_bounds = array<i64: 2048>}, {transform_indices = @transform_9, window_bounds = array<i64: 2048>}]} {
    %get3A = arith.constant 0 : index
    %get3A_0 = arith.constant 0 : index
    %get3A_1 = vector.load %arg1[%get3A, %get3A_0] : memref<2048x128xf32, #tpu.memory_space<vmem>>, vector<2048x128xf32>
    %get3A_2 = arith.constant 0 : index
    %get3A_3 = arith.constant 0 : index
    %get3A_4 = vector.load %arg2[%get3A_2, %get3A_3] : memref<128x128xf32, #tpu.memory_space<vmem>>, vector<128x128xf32>
    %dot_general3A = arith.constant dense<0.000000e+00> : vector<2048x128xf32>
    %dot_general3A_5 = tpu.matmul %get3A_1, %get3A_4, %dot_general3A {dimension_numbers = #tpu.dot_dimension_numbers<[1], [0], [0], [1], [0, 0, 1, 1], [], []>, transpose_lhs_hint = false} : vector<2048x128xf32>, vector<128x128xf32>, vector<2048x128xf32> -> vector<2048x128xf32>
    %get3A_6 = arith.constant 0 : index
    %get3A_7 = arith.constant 0 : index
    %get3A_8 = vector.load %arg3[%get3A_6, %get3A_7] : memref<1x128xf32, #tpu.memory_space<vmem>>, vector<1x128xf32>
    %add3A = vector.broadcast %get3A_8 : vector<1x128xf32> to vector<2048x128xf32>
    %add3A_9 = arith.addf %dot_general3A_5, %add3A : vector<2048x128xf32>
    %max3A = arith.constant 0.000000e+00 : f32
    %max3A_10 = vector.broadcast %max3A : f32 to vector<2048x128xf32>
    %max3A_11 = arith.maximumf %add3A_9, %max3A_10 : vector<2048x128xf32>
    %get3A_12 = arith.constant 0 : index
    %get3A_13 = arith.constant 0 : index
    %get3A_14 = vector.load %arg4[%get3A_12, %get3A_13] : memref<128x128xf32, #tpu.memory_space<vmem>>, vector<128x128xf32>
    %dot_general3A_15 = arith.constant dense<0.000000e+00> : vector<2048x128xf32>
    %dot_general3A_16 = tpu.matmul %max3A_11, %get3A_14, %dot_general3A_15 {dimension_numbers = #tpu.dot_dimension_numbers<[1], [0], [0], [1], [0, 0, 1, 1], [], []>, transpose_lhs_hint = false} : vector<2048x128xf32>, vector<128x128xf32>, vector<2048x128xf32> -> vector<2048x128xf32>
    %get3A_17 = arith.constant 0 : index
    %get3A_18 = arith.constant 0 : index
    %get3A_19 = vector.load %arg5[%get3A_17, %get3A_18] : memref<1x128xf32, #tpu.memory_space<vmem>>, vector<1x128xf32>
    %add3A_20 = vector.broadcast %get3A_19 : vector<1x128xf32> to vector<2048x128xf32>
    %add3A_21 = arith.addf %dot_general3A_16, %add3A_20 : vector<2048x128xf32>
    %max3A_22 = arith.constant 0.000000e+00 : f32
    %max3A_23 = vector.broadcast %max3A_22 : f32 to vector<2048x128xf32>
    %max3A_24 = arith.maximumf %add3A_21, %max3A_23 : vector<2048x128xf32>
    %get3A_25 = arith.constant 0 : index
    %get3A_26 = arith.constant 0 : index
    %get3A_27 = vector.load %arg6[%get3A_25, %get3A_26] : memref<128x128xf32, #tpu.memory_space<vmem>>, vector<128x128xf32>
    %dot_general3A_28 = arith.constant dense<0.000000e+00> : vector<128x2048xf32>
    %dot_general3A_29 = tpu.matmul %get3A_27, %max3A_24, %dot_general3A_28 {dimension_numbers = #tpu.dot_dimension_numbers<[1], [1], [0], [0], [0, 0, 1, 0], [], []>, transpose_lhs_hint = false} : vector<128x128xf32>, vector<2048x128xf32>, vector<128x2048xf32> -> vector<128x2048xf32>
    %slice3A = vector.extract_strided_slice %dot_general3A_29 {offsets = [0, 0], sizes = [1, 2048], strides = [1, 1]} : vector<128x2048xf32> to vector<1x2048xf32>
    %squeeze3A = vector.shape_cast %slice3A : vector<1x2048xf32> to vector<2048xf32>
    %get3A_30 = arith.constant 0 : index
    %get3A_31 = memref.load %arg7[%get3A_30] : memref<1xf32, #tpu.memory_space<smem>>
    %add3A_32 = vector.broadcast %get3A_31 : f32 to vector<2048xf32>
    %add3A_33 = arith.addf %squeeze3A, %add3A_32 : vector<2048xf32>
    %swap3A = arith.constant 0 : index
    %swap3A_34 = vector.load %arg9[%swap3A] : memref<2048xf32, #tpu.memory_space<vmem>>, vector<2048xf32>
    tpu.vector_store %arg9[%swap3A], %add3A_33 {strides = array<i32>} : memref<2048xf32, #tpu.memory_space<vmem>>, vector<2048xf32>,
    %slice3A_35 = vector.extract_strided_slice %dot_general3A_29 {offsets = [1, 0], sizes = [1, 2048], strides = [1, 1]} : vector<128x2048xf32> to vector<1x2048xf32>
    %squeeze3A_36 = vector.shape_cast %slice3A_35 : vector<1x2048xf32> to vector<2048xf32>
    %get3A_37 = arith.constant 0 : index
    %get3A_38 = memref.load %arg8[%get3A_37] : memref<1xf32, #tpu.memory_space<smem>>
    %add3A_39 = vector.broadcast %get3A_38 : f32 to vector<2048xf32>
    %add3A_40 = arith.addf %squeeze3A_36, %add3A_39 : vector<2048xf32>
    %logistic3A = arith.negf %add3A_40 : vector<2048xf32>
    %logistic3A_41 = math.exp %logistic3A : vector<2048xf32>
    %logistic3A_42 = arith.constant 1.000000e+00 : f32
    %logistic3A_43 = vector.broadcast %logistic3A_42 : f32 to vector<2048xf32>
    %logistic3A_44 = arith.addf %logistic3A_43, %logistic3A_41 : vector<2048xf32>
    %logistic3A_45 = arith.divf %logistic3A_43, %logistic3A_44 : vector<2048xf32>
    %swap3A_46 = arith.constant 0 : index
    %swap3A_47 = vector.load %arg10[%swap3A_46] : memref<2048xf32, #tpu.memory_space<vmem>>, vector<2048xf32>
    tpu.vector_store %arg10[%swap3A_46], %logistic3A_45 {strides = array<i32>} : memref<2048xf32, #tpu.memory_space<vmem>>, vector<2048xf32>,
    return
  }
  func.func @transform_0(%arg0: i32) -> (i32, i32) {
    %c0_i32 = arith.constant 0 : i32
    %c0_i32_0 = arith.constant 0 : i32
    return %arg0, %c0_i32 : i32, i32
  }
  func.func @transform_1(%arg0: i32) -> (i32, i32) {
    %c0_i32 = arith.constant 0 : i32
    %c0_i32_0 = arith.constant 0 : i32
    %c0_i32_1 = arith.constant 0 : i32
    return %c0_i32, %c0_i32_0 : i32, i32
  }
  func.func @transform_2(%arg0: i32) -> (i32, i32) {
    %c0_i32 = arith.constant 0 : i32
    %c0_i32_0 = arith.constant 0 : i32
    %c0_i32_1 = arith.constant 0 : i32
    return %c0_i32, %c0_i32_0 : i32, i32
  }
  func.func @transform_3(%arg0: i32) -> (i32, i32) {
    %c0_i32 = arith.constant 0 : i32
    %c0_i32_0 = arith.constant 0 : i32
    %c0_i32_1 = arith.constant 0 : i32
    return %c0_i32, %c0_i32_0 : i32, i32
  }
  func.func @transform_4(%arg0: i32) -> (i32, i32) {
    %c0_i32 = arith.constant 0 : i32
    %c0_i32_0 = arith.constant 0 : i32
    %c0_i32_1 = arith.constant 0 : i32
    return %c0_i32, %c0_i32_0 : i32, i32
  }
  func.func @transform_5(%arg0: i32) -> (i32, i32) {
    %c0_i32 = arith.constant 0 : i32
    %c0_i32_0 = arith.constant 0 : i32
    %c0_i32_1 = arith.constant 0 : i32
    return %c0_i32, %c0_i32_0 : i32, i32
  }
  func.func @transform_6(%arg0: i32) -> i32 {
    %c0_i32 = arith.constant 0 : i32
    %c0_i32_0 = arith.constant 0 : i32
    return %c0_i32 : i32
  }
  func.func @transform_7(%arg0: i32) -> i32 {
    %c0_i32 = arith.constant 0 : i32
    %c0_i32_0 = arith.constant 0 : i32
    return %c0_i32 : i32
  }
  func.func @transform_8(%arg0: i32) -> i32 {
    %c0_i32 = arith.constant 0 : i32
    return %arg0 : i32
  }
  func.func @transform_9(%arg0: i32) -> i32 {
    %c0_i32 = arith.constant 0 : i32
    return %arg0 : i32
  }
}

</mosaic_0001>

<sc_bundles>
// kernel: kernel.4.cloned.1.call-start
scs
__scs_entry_jumppad:
0x0: {  	(pc) =	sbr.rel $0x88, $3  }
0x1: {  	(tag) =	ssettag $0x0;
	lr =	simm.s32 $0x1  }
0x2: {  	[smem:$0x3F93] =	sst lr;
	_ =	strace $0xD0000000  }
0x3: {  	_ = 	snop  }
0x4: {  	_ = 	snop  }
0x5: {  	_ = 	snop  }
0x6: {  	_ = 	snop  }
0x7: {  	_ = 	snop  }
__scs_overlays_trampoline_lowered:
0x8: {  	[smem:$0x3FA2] =	sst s0  }
0x9: {  	[smem:$0x3FA3] =	sst s1  }
0xa: {  	[smem:$0x3FA4] =	sst s2  }
0xb: {  	[smem:$0x3FA5] =	sst s3  }
0xc: {  	[smem:$0x3FA6] =	sst s4  }
0xd: {  	[smem:$0x3FA7] =	sst s5  }
0xe: {  	[smem:$0x3FA8] =	sst s6  }
0xf: {  	[smem:$0x3FA9] =	sst s7  }
0x10: {  	[smem:$0x3FAA] =	sst s8  }
0x11: {  	[smem:$0x3FAB] =	sst s9;
	s0 =	simm.s32 @!p0 $0x0  }
0x12: {  	s1 =	sld [smem:$0x3F91];
	s0 =	simm.s32 @p0 $0x1  }
0x13: {  	[smem:$0x3FAC] =	sst s0;
	s0 =	simm.s32 @!p1 $0x0  }
0x14: {  	s2 =	sld [smem:$0x3F90];
	s0 =	simm.s32 @p1 $0x1  }
0x15: {  	[smem:$0x3FAD] =	sst s0;
	s0 =	simm.s32 @!p2 $0x0  }
0x16: {  	s3 =	sld [smem:$0x3FDB];
	s0 =	simm.s32 @p2 $0x1  }
0x17: {  	s4 =	simm.s32 $0x1BF5;
	[smem:$0x3FAF] =	sst s0  }
0x18: {  	s0 =	sld [smem:$0x3F92];
	_ =	swait.ge [sflag:s4], $0x0  }
0x19: {  	s7 =	sld [smem:$0x3F93]  }
0x1a: {  	s8 =	sadd.s32 $0xFFFFE003, lr  }
0x1b: {  	s9 =	sadd.s32 $0xFFFFFEF7, lr;
	s5 =	simm.s32 $0xFFFFFFFF;
	p2 =	slt.u32 s8, $0xFFFFF086  }
0x1c: {  	p1 =	slt.u32 s9, $0xF7A;
	s5 =	simm.s32 @!p2 $0x0  }
0x1d: {  	s5 =	simm.s32 @p1 $0x1;
	p0 =	seq.s32 s7, s2  }
0x1e: {  	s7 =	smul.u32 @!p0 $0xF7A, s2;
	p2 =	seq.s32 @!p0 s5, $0x0  }
0x1f: {  	s9 =	smul.u32 $0xF7A, s1;
	s8 =	simm.s32 @!p0 $0x1BF5;
	p2 =	por !p2, p0  }
0x20: {  	[sflag:s8] =	ssyncset.s32 @!p0 $0xFFFFF086;
	s6 =	sadd.s32 @!p0 s3, s7;
	s7 =	simm.s32 @!p0 $0x108  }
0x21: {  	s3 =	sadd.s32 s3, s9;
	s6 =	sadd.s32 @!p0 $0x88, s6;
	s7 =	simm.s32 @p2 $0x1082  }
0x22: {  	[simem:s7], [sflag:s8] =	dma.local @!p0 [hbm:s6], $0xF7A  }
0x23: {  	s9 =	sor.u32 $0xD0000000, s2;
	s6 =	simm.s32 $0x108;
	_ =	swait.ge @!p0 [sflag:s8], $0x0  }
0x24: {  	s3 =	sadd.s32 $0x88, s3;
	s6 =	simm.s32 @!p1 $0x1082;
	[sflag:s4] =	ssyncset.s32 $0xFFFFF086  }
0x25: {  	[simem:s6], [sflag:s4] =	dma.local [hbm:s3], $0xF7A  }
0x26: {  	[smem:$0x3F93] =	sst s1;
	(tag) =	ssettag s2;
	_ =	strace s9  }
0x27: {  	s1 =	sld [smem:$0x3FA3]  }
0x28: {  	s2 =	sld [smem:$0x3FA4]  }
0x29: {  	s4 =	sld [smem:$0x3FA6]  }
0x2a: {  	p0 =	seq.s32 s5, $0x0;
	s5 =	sld [smem:$0x3FA7]  }
0x2b: {  	s6 =	sld [smem:$0x3FA8]  }
0x2c: {  	s7 =	sld [smem:$0x3FA9]  }
0x2d: {  	s3 =	simm.s32 $0x108;
	s8 =	sld [smem:$0x3FAA]  }
0x2e: {  	s3 =	simm.s32 @!p0 $0x1082;
	s9 =	sld [smem:$0x3FAB]  }
0x2f: {  	lr =	sadd.s32 s0, s3;
	s0 =	sld [smem:$0x3FA2]  }
0x30: {  	s3 =	sld [smem:$0x3FA5]  }
0x31: {  	[smem:$0x3FAE] =	sst s10  }
0x32: {  	s10 =	sld [smem:$0x3FAC];
	_ =	sdelay $0x3  }
0x33: {  	p0 =	seq.s32 s10, $0x1;
	s10 =	sld [smem:$0x3FAE];
	_ =	sdelay $0x3  }
0x34: {  	[smem:$0x3FAE] =	sst s10  }
0x35: {  	s10 =	sld [smem:$0x3FAD];
	_ =	sdelay $0x3  }
0x36: {  	p1 =	seq.s32 s10, $0x1;
	s10 =	sld [smem:$0x3FAE];
	_ =	sdelay $0x3  }
0x37: {  	[smem:$0x3FAE] =	sst s10  }
0x38: {  	s10 =	sld [smem:$0x3FAF]  }
0x39: {  	_ = 	snop;
	(pc) =	sbr.ind lr, $3  }
0x3a: {  	_ = 	snop  }
0x3b: {  	_ = 	snop  }
0x3c: {  	p2 =	seq.s32 s10, $0x1;
	s10 =	sld [smem:$0x3FAE]  }
0x3d: {  	_ =	shalt  }
0x3e: {  	_ =	shalt  }
0x3f: {  	_ =	shalt  }
0x40: {  	_ =	shalt  }
0x41: {  	_ =	shalt  }
0x42: {  	_ =	shalt  }
0x43: {  	_ =	shalt  }
0x44: {  	_ =	shalt  }
0x45: {  	_ =	shalt  }
0x46: {  	_ =	shalt  }
0x47: {  	_ =	shalt  }
0x48: {  	_ =	shalt  }
0x49: {  	_ =	shalt  }
0x4a: {  	_ =	shalt  }
0x4b: {  	_ =	shalt  }
0x4c: {  	_ =	shalt  }
0x4d: {  	_ =	shalt  }
0x4e: {  	_ =	shalt  }
0x4f: {  	_ =	shalt  }
0x50: {  	_ =	shalt  }
0x51: {  	_ =	shalt  }
0x52: {  	_ =	shalt  }
0x53: {  	_ =	shalt  }
0x54: {  	_ =	shalt  }
0x55: {  	_ =	shalt  }
0x56: {  	_ =	shalt  }
0x57: {  	_ =	shalt  }
0x58: {  	_ =	shalt  }
0x59: {  	_ =	shalt  }
0x5a: {  	_ =	shalt  }
0x5b: {  	_ =	shalt  }
0x5c: {  	_ =	shalt  }
0x5d: {  	_ =	shalt  }
0x5e: {  	_ =	shalt  }
0x5f: {  	_ =	shalt  }
0x60: {  	_ =	shalt  }
0x61: {  	_ =	shalt  }
0x62: {  	_ =	shalt  }
0x63: {  	_ =	shalt  }
0x64: {  	_ =	shalt  }
0x65: {  	_ =	shalt  }
0x66: {  	_ =	shalt  }
0x67: {  	_ =	shalt  }
0x68: {  	_ =	shalt  }
0x69: {  	_ =	shalt  }
0x6a: {  	_ =	shalt  }
0x6b: {  	_ =	shalt  }
0x6c: {  	_ =	shalt  }
0x6d: {  	_ =	shalt  }
0x6e: {  	_ =	shalt  }
0x6f: {  	_ =	shalt  }
0x70: {  	_ =	shalt  }
0x71: {  	_ =	shalt  }
0x72: {  	_ =	shalt  }
0x73: {  	_ =	shalt  }
0x74: {  	_ =	shalt  }
0x75: {  	_ =	shalt  }
0x76: {  	_ =	shalt  }
0x77: {  	_ =	shalt  }
0x78: {  	_ =	shalt  }
0x79: {  	_ =	shalt  }
0x7a: {  	_ =	shalt  }
0x7b: {  	_ =	shalt  }
0x7c: {  	_ =	shalt  }
0x7d: {  	_ =	shalt  }
0x7e: {  	_ =	shalt  }
0x7f: {  	_ =	shalt  }
0x80: {  	_ =	shalt  }
0x81: {  	_ =	shalt  }
0x82: {  	_ =	shalt  }
0x83: {  	_ =	shalt  }
0x84: {  	_ =	shalt  }
0x85: {  	_ =	shalt  }
0x86: {  	_ =	shalt  }
0x87: {  	_ =	shalt  }
.Lfunc_end0:
.L_simem_size_0:
called_computation_lowered:
.L_overlay_start_0:
0x88: {  	s2 =	sld [smem:$0x3FD9]  }
0x89: {  	s3 =	sld [smem:$0x3FFE];
	_ =	sdelay $0x1  }
0x8a: {  	s1 =	srdreg.scid  }
0x8b: {  	s0 =	sand.u32 $0x1, s1  }
0x8c: {  	s17 =	sshll.u32 s0, $0xA;
	s2 =	sadd.s32 s3, s2  }
0x8d: {  	s2 =	sadd.s32 s2, s17  }
0x8e: {  	[smem:$0x3FBA] =	sst s2  }
0x8f: {  	_ = 	snop  }
0x90: {  	s2 =	sld [smem:$0x3FC9]  }
0x91: {  	s18 =	sld [smem:$0x3FC8]  }
0x92: {  	s4 =	sld [smem:$0x3FC7]  }
0x93: {  	s5 =	sld [smem:$0x3FC6];
	(tm) =	ssettm $0x1  }
0x94: {  	s6 =	sld [smem:$0x3FFB];
	_ =	sdelay $0x3  }
0x95: {  	_ =	strace s6  }
0x96: {  	s6 =	sld [smem:$0x3FFC];
	_ =	sdelay $0x3  }
0x97: {  	_ =	strace s6  }
0x98: {  	s6 =	sld [smem:$0x3FFD];
	_ =	sdelay $0x3  }
0x99: {  	_ =	strace s6  }
0x9a: {  	_ =	strace $0x8FFFFFFF  }
0x9b: {  	s19 =	sld [smem:$0x3FDB];
	_ =	sdelay $0x1  }
0x9c: {  	s7 =	simm.s32 $_scs_section_size  }
0x9d: {  	s8 =	simm.s32 $_size__tile_overlayer_lowered;
	s9 =	simm.s32 $_tile_overlayer_lowered  }
0x9e: {  	s22 =	simm.s32 $0x1BFF;
	s21 =	sshll.u32 s9, $0x1;
	s6 =	sadd.s32 s7, s19  }
0x9f: {  	s10 =	simm.s32 $0x0;
	s20 =	sshll.u32 s8, $0x1;
	s8 =	sadd.s32 s21, s6  }
0xa0: {  	[timem:s10], [sflag:s22] =	dma.local [hbm:s8], s20  }
0xa1: {  	_ =	swait.ge [sflag:s22], s20  }
0xa2: {  	s7 =	ssub.s32 $0x0, s20;
	[sflag:s22] =	ssyncset.done $0x0  }
0xa3: {  	[sflag:s22] =	ssyncadd.s32 s7;
	_ =	sdelay $0x1  }
0xa4: {  	s23 =	simm.s32 $0x1B8B  }
0xa5: {  	_ =	swait.ge [sflag:s23], $0x1  }
0xa6: {  	[sflag:s23] =	ssyncset.done $0x0  }
0xa7: {  	s25 =	simm.s32 $0x1B8E;
	s24 =	sld [smem:$0x3FFE];
	[sflag:s23] =	ssyncadd.s32 $0xFFFFFFFF  }
0xa8: {  	s26 =	simm.s32 $execute0_lowered;
	[smem:$0x3FD2] =	sst s25  }
0xa9: {  	s8 =	sshll.u32 s26, $0x1;
	_ =	strace $0x80000046;
	[dreg:$0x1] =	wrdreg $0xFFFFFFFF  }
0xaa: {  	s28 =	simm.s32 $_size_execute0_lowered;
	s6 =	sadd.s32 s6, s8;
	[dreg:$0x0] =	wrdreg $0x0  }
0xab: {  	s8 =	sshll.u32 s28, $0x1;
	[dreg:$0x2] =	wrdreg s6  }
0xac: {  	[dreg:$0x3] =	wrdreg s8  }
0xad: {  	[dreg:$0x4] =	wrdreg $0xC0  }
0xae: {  	_ =	task [dreg:s10], $0x5FFFF  }
0xaf: {  	[dreg:$0x1] =	wrdreg $0xFFFFFFFF  }
0xb0: {  	[dreg:$0x0] =	wrdreg $0x60  }
0xb1: {  	[dreg:$0x2] =	wrdreg s2  }
0xb2: {  	[dreg:$0x3] =	wrdreg s18  }
0xb3: {  	[dreg:$0x4] =	wrdreg s4  }
0xb4: {  	[dreg:$0x5] =	wrdreg s5  }
0xb5: {  	[dreg:$0x6] =	wrdreg s24  }
0xb6: {  	[dreg:$0x7] =	wrdreg $0x9  }
0xb7: {  	_ =	task.clear_ibuf [dreg:s10], $0x8FFFF;
	_ =	strace $0x90000046  }
0xb8: {  	s29 =	simm.s32 $0x9;
	_ =	strace $0x80000048  }
0xb9: {  	_ =	swait.ge [sflag:s29], $0x1  }
0xba: {  	[sflag:s29] =	ssyncadd.s32 $0xFFFFFFFF  }
0xbb: {  	_ =	strace $0x90000048  }
0xbc: {  	_ =	sfence  }
0xbd: {  	s30 =	sld [smem:$0x0];
	_ =	sdelay $0x2  }
0xbe: {  	s31 =	sshll.u32 s1, $0xD;
	s1 =	sshrl.u32 s1, $0x2  }
0xbf: {  	s3 =	sand.u32 $0x4000, s31;
	s1 =	sadd.s32 s1, s30  }
0xc0: {  	s0 =	sor.u32 s3, s0;
	s1 =	sshll.u32 s1, $0x11  }
0xc1: {  	s0 =	sor.u32 s1, s0  }
0xc2: {  	s0 =	sadd.s32 $0x8F2B, s0  }
0xc3: {  	[sflag:s0] =	ssyncadd.remote.s32 $0x1  }
0xc4: {  	_ =	sfence.sel $0xFFFF  }
0xc5: {  	[dreg:$0x0] =	wrdreg $0xFFFFFFFF;
	(pc) =	sbr.abs _section_cstart, $3  }
0xc6: {  	[dreg:$0x1] =	wrdreg $0xFFFFFFFF  }
0xc7: {  	_ =	task.clear_ibuf [dreg:s10], $0x2FFFF;
	_ =	strace $0x9FFFFFFF  }
0xc8: {  	(tm) =	ssettm $0x7FFFFFFF  }
0xc9: {  	_ =	shalt  }
tec
execute0_lowered:
.L_overlay_start_1:
0x0: {  	(tag) =	ssettag $0x1  }
0x1: {  	s5 =	rddreg [dreg:$0x0]  }
0x2: {  	s6 =	rddreg [dreg:$0x1]  }
0x3: {  	s1 =	rddreg [dreg:$0x2]  }
0x4: {  	s3 =	rddreg [dreg:$0x3]  }
0x5: {  	s7 =	rddreg [dreg:$0x4];
	s4 =	srdreg.scid  }
0x6: {  	s0 =	rddreg [dreg:$0x5];
	s2 =	stileid.u32  }
0x7: {  	s12 =	simm.s32 $0x3;
	s13 =	simm.s32 $0x200;
	s14 =	simm.s32 $0x80  }
0x8: {  	s15 =	simm.s32 $0x400;
	s16 =	simm.s32 $0x4400;
	s17 =	simm.s32 $0x1  }
0x9: {  	s18 =	simm.s32 $0x2;
	s19 =	simm.s32 $0x280;
	s20 =	simm.s32 $0x100  }
0xa: {  	s21 =	simm.s32 $0x300;
	s22 =	simm.s32 $0x180;
	s23 =	simm.s32 $0x380  }
0xb: {  	s24 =	simm.s32 $0x0;
	s8 =	sand.u32 $0x1, s4;
	s4 =	simm.s32 $0x0  }
0xc: {  	s9 =	sshll.u32 s2, $0xA;
	s10 =	sshll.u32 s8, $0x9;
	[smem:$0x7FF] =	sst s4  }
0xd: {  	s8 =	ssub.s32 $0x2, s8;
	s9 =	sor.u32 s10, s9;
	_ =	strace $0x80000047  }
0xe: {  	s31 =	sshrl.u32 s8, $0x1;
	s10 =	sshll.u32 s9, $0x4;
	s9 =	sshrl.u32 s9, $0x3  }
0xf: {  	s11 =	ssub.s32 s8, s31;
	s10 =	sadd.s32 s10, s7;
	s5 =	sadd.s32 s5, s9  }
0x10: {  	s6 =	sadd.s32 s6, s9;
	s11 =	smax.u32 s11, $0x1;
	s7 =	sadd.s32 $0x600, s10  }
0x11: {  	s8 =	sadd.s32 $0xE00, s10;
	s9 =	sadd.s32 $0x1600, s10;
	s10 =	sadd.s32 $0x1E00, s10  }
.LBB2_1:
0x12: {  	[tilespmem:s4], [sflag:$0x3] =	stream.linear.gather [hbm4b:s5+s4], $0x200, $0x38;
	[tilespmem:$0x8400] =	vst v63  }
0x13: {  	_ =	swait.ge [sflag:s12], $0x200  }
0x14: {  	[sflag:s12] =	ssyncset.done $0x0  }
0x15: {  	[sflag:s12] =	ssyncadd.s32 $0xFFFFFE00  }
0x16: {  	[tilespmem:s13], [sflag:$0x3] =	stream.linear.gather [hbm4b:s6+s4], $0x200, $0x38;
	[tilespmem:$0x8400] =	vst v63  }
0x17: {  	_ =	swait.ge [sflag:s12], $0x200  }
0x18: {  	[sflag:s12] =	ssyncset.done $0x0  }
0x19: {  	[sflag:s12] =	ssyncadd.s32 $0xFFFFFE00  }
0x1a: {  	[tilespmem:s15], [sflag:$0x1] =	stream.indirect.gather [hbm4b:s1+s14], $0x80, s4, s14, $0xb8;
	[tilespmem:$0x8400] =	vst v63  }
0x1b: {  	_ = 	snop  }
0x1c: {  	[tilespmem:s16], [sflag:$0x2] =	stream.indirect.gather [hbm4b:s3+s14], $0x80, s13, s14, $0xb8;
	[tilespmem:$0x8400] =	vst v63  }
0x1d: {  	_ =	swait.ge [sflag:s17], $0x4000  }
0x1e: {  	[sflag:s17] =	ssyncset.done $0x0  }
0x1f: {  	[sflag:s17] =	ssyncadd.s32 $0xFFFFC000  }
0x20: {  	_ =	swait.ge [sflag:s18], $0x4000  }
0x21: {  	[sflag:s18] =	ssyncset.done $0x0  }
0x22: {  	s25 =	simm.s32 $0x0;
	[sflag:s18] =	ssyncadd.s32 $0xFFFFC000  }
0x23: {  	v7 =	vld [tilespmem:s25+$0x4400]  }
0x24: {  	v11 =	vld [tilespmem:s25+$0x4410]  }
0x25: {  	v5 =	vld [tilespmem:s25+$0x4420]  }
0x26: {  	v4 =	vld [tilespmem:s25+$0x4430]  }
0x27: {  	v3 =	vld [tilespmem:s25+$0x4440]  }
0x28: {  	v2 =	vld [tilespmem:s25+$0x4450]  }
0x29: {  	v1 =	vld [tilespmem:s25+$0x4460]  }
0x2a: {  	v0 =	vld [tilespmem:s25+$0x4470]  }
0x2b: {  	v12 =	vld [tilespmem:s25+$0x400]  }
0x2c: {  	v13 =	vld [tilespmem:s25+$0x410]  }
0x2d: {  	v10 =	vld [tilespmem:s25+$0x420]  }
0x2e: {  	v9 =	vld [tilespmem:s25+$0x430]  }
0x2f: {  	v8 =	vld [tilespmem:s25+$0x440]  }
0x30: {  	v6 =	vld [tilespmem:s25+$0x450];
	v12 =	vmul.f32 v7, v12  }
0x31: {  	s26 =	simm.s32 $0x200;
	v11 =	vmul.f32 v11, v13;
	v7 =	vld [tilespmem:s25+$0x460]  }
.LBB2_2:
0x32: {  	s28 =	sshra.s32 s26, $0x2;
	p0 =	sne.s32 s26, $0xFE00;
	[tilespmem:s25+$0x400] =	vst v12;
	v5 =	vmul.f32 v5, v10;
	v10 =	vld [tilespmem:s25+$0x470]  }
0x33: {  	v12 =	vld [tilespmem:s28+$0x4400];
	[tilespmem:s25+$0x410] =	vst v11;
	v4 =	vmul.f32 v4, v9  }
0x34: {  	v11 =	vld [tilespmem:s28+$0x4410];
	[tilespmem:s25+$0x420] =	vst v5;
	v3 =	vmul.f32 v3, v8  }
0x35: {  	v5 =	vld [tilespmem:s28+$0x4420];
	[tilespmem:s25+$0x430] =	vst v4;
	v2 =	vmul.f32 v2, v6  }
0x36: {  	v4 =	vld [tilespmem:s28+$0x4430];
	[tilespmem:s25+$0x440] =	vst v3;
	v1 =	vmul.f32 v1, v7  }
0x37: {  	v3 =	vld [tilespmem:s28+$0x4440];
	[tilespmem:s25+$0x450] =	vst v2;
	v0 =	vmul.f32 v0, v10  }
0x38: {  	v2 =	vld [tilespmem:s28+$0x4450];
	[tilespmem:s25+$0x460] =	vst v1  }
0x39: {  	v1 =	vld [tilespmem:s28+$0x4460];
	[tilespmem:s25+$0x470] =	vst v0;
	s25 =	smov.u32 s28  }
0x3a: {  	v0 =	vld [tilespmem:s25+$0x4470]  }
0x3b: {  	v6 =	vld [tilespmem:s25+$0x400]  }
0x3c: {  	v7 =	vld [tilespmem:s25+$0x410]  }
.Ltmp0:
0x3d: {  	v10 =	vld [tilespmem:s25+$0x420];
	(pc) =	sbr.rel @p0 .LBB2_2-.Ltmp0, $4  }
0x3e: {  	v9 =	vld [tilespmem:s25+$0x430]  }
0x3f: {  	v8 =	vld [tilespmem:s25+$0x440]  }
0x40: {  	v12 =	vmul.f32 v12, v6;
	v6 =	vld [tilespmem:s25+$0x450]  }
0x41: {  	s26 =	sadd.s32 $0x200, s26;
	v11 =	vmul.f32 v11, v7;
	v7 =	vld [tilespmem:s25+$0x460]  }
0x42: {  	[tilespmem:s25+$0x400] =	vst v12;
	v5 =	vmul.f32 v5, v10;
	v10 =	vld [tilespmem:s25+$0x470]  }
0x43: {  	[tilespmem:s25+$0x410] =	vst v11;
	v4 =	vmul.f32 v4, v9  }
0x44: {  	[tilespmem:s25+$0x420] =	vst v5;
	v3 =	vmul.f32 v3, v8  }
0x45: {  	[tilespmem:s25+$0x430] =	vst v4;
	v2 =	vmul.f32 v2, v6  }
0x46: {  	[tilespmem:s25+$0x440] =	vst v3;
	v1 =	vmul.f32 v1, v7  }
0x47: {  	[tilespmem:s25+$0x450] =	vst v2;
	v0 =	vmul.f32 v0, v10  }
0x48: {  	[tilespmem:s25+$0x460] =	vst v1  }
0x49: {  	s31 =	simm.s32 $0x0;
	[tilespmem:s25+$0x470] =	vst v0  }
0x4a: {  	[hbm4b:s7+s31] =	stream.linear.scatter [tilespmem:s15], [sflag:$0x3], $0x4000, $0x38;
	[tilespmem:$0x8400] =	vst v63  }
0x4b: {  	_ =	swait.ge [sflag:s12], $0x4000  }
0x4c: {  	[sflag:s12] =	ssyncset.done $0x0  }
0x4d: {  	[sflag:s12] =	ssyncadd.s32 $0xFFFFC000  }
0x4e: {  	[tilespmem:s15], [sflag:$0x1] =	stream.indirect.gather [hbm4b:s1+s14], $0x80, s14, s14, $0xb8;
	[tilespmem:$0x8400] =	vst v63  }
0x4f: {  	_ = 	snop  }
0x50: {  	[tilespmem:s16], [sflag:$0x2] =	stream.indirect.gather [hbm4b:s3+s14], $0x80, s19, s14, $0xb8;
	[tilespmem:$0x8400] =	vst v63  }
0x51: {  	_ =	swait.ge [sflag:s17], $0x4000  }
0x52: {  	[sflag:s17] =	ssyncset.done $0x0  }
0x53: {  	[sflag:s17] =	ssyncadd.s32 $0xFFFFC000  }
0x54: {  	_ =	swait.ge [sflag:s18], $0x4000  }
0x55: {  	[sflag:s18] =	ssyncset.done $0x0  }
0x56: {  	s25 =	simm.s32 $0x0;
	[sflag:s18] =	ssyncadd.s32 $0xFFFFC000  }
0x57: {  	v7 =	vld [tilespmem:s25+$0x4400]  }
0x58: {  	v11 =	vld [tilespmem:s25+$0x4410]  }
0x59: {  	v5 =	vld [tilespmem:s25+$0x4420]  }
0x5a: {  	v4 =	vld [tilespmem:s25+$0x4430]  }
0x5b: {  	v3 =	vld [tilespmem:s25+$0x4440]  }
0x5c: {  	v2 =	vld [tilespmem:s25+$0x4450]  }
0x5d: {  	v1 =	vld [tilespmem:s25+$0x4460]  }
0x5e: {  	v0 =	vld [tilespmem:s25+$0x4470]  }
0x5f: {  	v12 =	vld [tilespmem:s25+$0x400]  }
0x60: {  	v13 =	vld [tilespmem:s25+$0x410]  }
0x61: {  	v10 =	vld [tilespmem:s25+$0x420]  }
0x62: {  	v9 =	vld [tilespmem:s25+$0x430]  }
0x63: {  	v8 =	vld [tilespmem:s25+$0x440]  }
0x64: {  	v6 =	vld [tilespmem:s25+$0x450];
	v12 =	vmul.f32 v7, v12  }
0x65: {  	s26 =	simm.s32 $0x200;
	v11 =	vmul.f32 v11, v13;
	v7 =	vld [tilespmem:s25+$0x460]  }
.LBB2_4:
0x66: {  	s28 =	sshra.s32 s26, $0x2;
	p0 =	sne.s32 s26, $0xFE00;
	[tilespmem:s25+$0x400] =	vst v12;
	v5 =	vmul.f32 v5, v10;
	v10 =	vld [tilespmem:s25+$0x470]  }
0x67: {  	v12 =	vld [tilespmem:s28+$0x4400];
	[tilespmem:s25+$0x410] =	vst v11;
	v4 =	vmul.f32 v4, v9  }
0x68: {  	v11 =	vld [tilespmem:s28+$0x4410];
	[tilespmem:s25+$0x420] =	vst v5;
	v3 =	vmul.f32 v3, v8  }
0x69: {  	v5 =	vld [tilespmem:s28+$0x4420];
	[tilespmem:s25+$0x430] =	vst v4;
	v2 =	vmul.f32 v2, v6  }
0x6a: {  	v4 =	vld [tilespmem:s28+$0x4430];
	[tilespmem:s25+$0x440] =	vst v3;
	v1 =	vmul.f32 v1, v7  }
0x6b: {  	v3 =	vld [tilespmem:s28+$0x4440];
	[tilespmem:s25+$0x450] =	vst v2;
	v0 =	vmul.f32 v0, v10  }
0x6c: {  	v2 =	vld [tilespmem:s28+$0x4450];
	[tilespmem:s25+$0x460] =	vst v1  }
0x6d: {  	v1 =	vld [tilespmem:s28+$0x4460];
	[tilespmem:s25+$0x470] =	vst v0;
	s25 =	smov.u32 s28  }
0x6e: {  	v0 =	vld [tilespmem:s25+$0x4470]  }
0x6f: {  	v6 =	vld [tilespmem:s25+$0x400]  }
0x70: {  	v7 =	vld [tilespmem:s25+$0x410]  }
.Ltmp1:
0x71: {  	v10 =	vld [tilespmem:s25+$0x420];
	(pc) =	sbr.rel @p0 .LBB2_4-.Ltmp1, $4  }
0x72: {  	v9 =	vld [tilespmem:s25+$0x430]  }
0x73: {  	v8 =	vld [tilespmem:s25+$0x440]  }
0x74: {  	v12 =	vmul.f32 v12, v6;
	v6 =	vld [tilespmem:s25+$0x450]  }
0x75: {  	s26 =	sadd.s32 $0x200, s26;
	v11 =	vmul.f32 v11, v7;
	v7 =	vld [tilespmem:s25+$0x460]  }
0x76: {  	[tilespmem:s25+$0x400] =	vst v12;
	v5 =	vmul.f32 v5, v10;
	v10 =	vld [tilespmem:s25+$0x470]  }
0x77: {  	[tilespmem:s25+$0x410] =	vst v11;
	v4 =	vmul.f32 v4, v9  }
0x78: {  	[tilespmem:s25+$0x420] =	vst v5;
	v3 =	vmul.f32 v3, v8  }
0x79: {  	[tilespmem:s25+$0x430] =	vst v4;
	v2 =	vmul.f32 v2, v6  }
0x7a: {  	[tilespmem:s25+$0x440] =	vst v3;
	v1 =	vmul.f32 v1, v7  }
0x7b: {  	[tilespmem:s25+$0x450] =	vst v2;
	v0 =	vmul.f32 v0, v10  }
0x7c: {  	[tilespmem:s25+$0x460] =	vst v1  }
0x7d: {  	s31 =	simm.s32 $0x0;
	[tilespmem:s25+$0x470] =	vst v0  }
0x7e: {  	[hbm4b:s8+s31] =	stream.linear.scatter [tilespmem:s15], [sflag:$0x3], $0x4000, $0x38;
	[tilespmem:$0x8400] =	vst v63  }
0x7f: {  	_ =	swait.ge [sflag:s12], $0x4000  }
0x80: {  	[sflag:s12] =	ssyncset.done $0x0  }
0x81: {  	[sflag:s12] =	ssyncadd.s32 $0xFFFFC000  }
0x82: {  	[tilespmem:s15], [sflag:$0x1] =	stream.indirect.gather [hbm4b:s1+s14], $0x80, s20, s14, $0xb8;
	[tilespmem:$0x8400] =	vst v63  }
0x83: {  	_ = 	snop  }
0x84: {  	[tilespmem:s16], [sflag:$0x2] =	stream.indirect.gather [hbm4b:s3+s14], $0x80, s21, s14, $0xb8;
	[tilespmem:$0x8400] =	vst v63  }
0x85: {  	_ =	swait.ge [sflag:s17], $0x4000  }
0x86: {  	[sflag:s17] =	ssyncset.done $0x0  }
0x87: {  	[sflag:s17] =	ssyncadd.s32 $0xFFFFC000  }
0x88: {  	_ =	swait.ge [sflag:s18], $0x4000  }
0x89: {  	[sflag:s18] =	ssyncset.done $0x0  }
0x8a: {  	s25 =	simm.s32 $0x0;
	[sflag:s18] =	ssyncadd.s32 $0xFFFFC000  }
0x8b: {  	v7 =	vld [tilespmem:s25+$0x4400]  }
0x8c: {  	v11 =	vld [tilespmem:s25+$0x4410]  }
0x8d: {  	v5 =	vld [tilespmem:s25+$0x4420]  }
0x8e: {  	v4 =	vld [tilespmem:s25+$0x4430]  }
0x8f: {  	v3 =	vld [tilespmem:s25+$0x4440]  }
0x90: {  	v2 =	vld [tilespmem:s25+$0x4450]  }
0x91: {  	v1 =	vld [tilespmem:s25+$0x4460]  }
0x92: {  	v0 =	vld [tilespmem:s25+$0x4470]  }
0x93: {  	v12 =	vld [tilespmem:s25+$0x400]  }
0x94: {  	v13 =	vld [tilespmem:s25+$0x410]  }
0x95: {  	v10 =	vld [tilespmem:s25+$0x420]  }
0x96: {  	v9 =	vld [tilespmem:s25+$0x430]  }
0x97: {  	v8 =	vld [tilespmem:s25+$0x440]  }
0x98: {  	v6 =	vld [tilespmem:s25+$0x450];
	v12 =	vmul.f32 v7, v12  }
0x99: {  	s26 =	simm.s32 $0x200;
	v11 =	vmul.f32 v11, v13;
	v7 =	vld [tilespmem:s25+$0x460]  }
.LBB2_6:
0x9a: {  	s28 =	sshra.s32 s26, $0x2;
	p0 =	sne.s32 s26, $0xFE00;
	[tilespmem:s25+$0x400] =	vst v12;
	v5 =	vmul.f32 v5, v10;
	v10 =	vld [tilespmem:s25+$0x470]  }
0x9b: {  	v12 =	vld [tilespmem:s28+$0x4400];
	[tilespmem:s25+$0x410] =	vst v11;
	v4 =	vmul.f32 v4, v9  }
0x9c: {  	v11 =	vld [tilespmem:s28+$0x4410];
	[tilespmem:s25+$0x420] =	vst v5;
	v3 =	vmul.f32 v3, v8  }
0x9d: {  	v5 =	vld [tilespmem:s28+$0x4420];
	[tilespmem:s25+$0x430] =	vst v4;
	v2 =	vmul.f32 v2, v6  }
0x9e: {  	v4 =	vld [tilespmem:s28+$0x4430];
	[tilespmem:s25+$0x440] =	vst v3;
	v1 =	vmul.f32 v1, v7  }
0x9f: {  	v3 =	vld [tilespmem:s28+$0x4440];
	[tilespmem:s25+$0x450] =	vst v2;
	v0 =	vmul.f32 v0, v10  }
0xa0: {  	v2 =	vld [tilespmem:s28+$0x4450];
	[tilespmem:s25+$0x460] =	vst v1  }
0xa1: {  	v1 =	vld [tilespmem:s28+$0x4460];
	[tilespmem:s25+$0x470] =	vst v0;
	s25 =	smov.u32 s28  }
0xa2: {  	v0 =	vld [tilespmem:s25+$0x4470]  }
0xa3: {  	v6 =	vld [tilespmem:s25+$0x400]  }
0xa4: {  	v7 =	vld [tilespmem:s25+$0x410]  }
.Ltmp2:
0xa5: {  	v10 =	vld [tilespmem:s25+$0x420];
	(pc) =	sbr.rel @p0 .LBB2_6-.Ltmp2, $4  }
0xa6: {  	v9 =	vld [tilespmem:s25+$0x430]  }
0xa7: {  	v8 =	vld [tilespmem:s25+$0x440]  }
0xa8: {  	v12 =	vmul.f32 v12, v6;
	v6 =	vld [tilespmem:s25+$0x450]  }
0xa9: {  	s26 =	sadd.s32 $0x200, s26;
	v11 =	vmul.f32 v11, v7;
	v7 =	vld [tilespmem:s25+$0x460]  }
0xaa: {  	[tilespmem:s25+$0x400] =	vst v12;
	v5 =	vmul.f32 v5, v10;
	v10 =	vld [tilespmem:s25+$0x470]  }
0xab: {  	[tilespmem:s25+$0x410] =	vst v11;
	v4 =	vmul.f32 v4, v9  }
0xac: {  	[tilespmem:s25+$0x420] =	vst v5;
	v3 =	vmul.f32 v3, v8  }
0xad: {  	[tilespmem:s25+$0x430] =	vst v4;
	v2 =	vmul.f32 v2, v6  }
0xae: {  	[tilespmem:s25+$0x440] =	vst v3;
	v1 =	vmul.f32 v1, v7  }
0xaf: {  	[tilespmem:s25+$0x450] =	vst v2;
	v0 =	vmul.f32 v0, v10  }
0xb0: {  	[tilespmem:s25+$0x460] =	vst v1  }
0xb1: {  	s31 =	simm.s32 $0x0;
	[tilespmem:s25+$0x470] =	vst v0  }
0xb2: {  	[hbm4b:s9+s31] =	stream.linear.scatter [tilespmem:s15], [sflag:$0x3], $0x4000, $0x38;
	[tilespmem:$0x8400] =	vst v63  }
0xb3: {  	_ =	swait.ge [sflag:s12], $0x4000  }
0xb4: {  	[sflag:s12] =	ssyncset.done $0x0  }
0xb5: {  	[sflag:s12] =	ssyncadd.s32 $0xFFFFC000  }
0xb6: {  	[tilespmem:s15], [sflag:$0x1] =	stream.indirect.gather [hbm4b:s1+s14], $0x80, s22, s14, $0xb8;
	[tilespmem:$0x8400] =	vst v63  }
0xb7: {  	_ = 	snop  }
0xb8: {  	[tilespmem:s16], [sflag:$0x2] =	stream.indirect.gather [hbm4b:s3+s14], $0x80, s23, s14, $0xb8;
	[tilespmem:$0x8400] =	vst v63  }
0xb9: {  	_ =	swait.ge [sflag:s17], $0x4000  }
0xba: {  	[sflag:s17] =	ssyncset.done $0x0  }
0xbb: {  	[sflag:s17] =	ssyncadd.s32 $0xFFFFC000  }
0xbc: {  	_ =	swait.ge [sflag:s18], $0x4000  }
0xbd: {  	[sflag:s18] =	ssyncset.done $0x0  }
0xbe: {  	s25 =	simm.s32 $0x0;
	[sflag:s18] =	ssyncadd.s32 $0xFFFFC000  }
0xbf: {  	v7 =	vld [tilespmem:s25+$0x4400]  }
0xc0: {  	v11 =	vld [tilespmem:s25+$0x4410]  }
0xc1: {  	v5 =	vld [tilespmem:s25+$0x4420]  }
0xc2: {  	v4 =	vld [tilespmem:s25+$0x4430]  }
0xc3: {  	v3 =	vld [tilespmem:s25+$0x4440]  }
0xc4: {  	v2 =	vld [tilespmem:s25+$0x4450]  }
0xc5: {  	v1 =	vld [tilespmem:s25+$0x4460]  }
0xc6: {  	v0 =	vld [tilespmem:s25+$0x4470]  }
0xc7: {  	v12 =	vld [tilespmem:s25+$0x400]  }
0xc8: {  	v13 =	vld [tilespmem:s25+$0x410]  }
0xc9: {  	v10 =	vld [tilespmem:s25+$0x420]  }
0xca: {  	v9 =	vld [tilespmem:s25+$0x430]  }
0xcb: {  	v8 =	vld [tilespmem:s25+$0x440]  }
0xcc: {  	v6 =	vld [tilespmem:s25+$0x450];
	v12 =	vmul.f32 v7, v12  }
0xcd: {  	s26 =	simm.s32 $0x200;
	v11 =	vmul.f32 v11, v13;
	v7 =	vld [tilespmem:s25+$0x460]  }
.LBB2_8:
0xce: {  	s28 =	sshra.s32 s26, $0x2;
	p0 =	sne.s32 s26, $0xFE00;
	[tilespmem:s25+$0x400] =	vst v12;
	v5 =	vmul.f32 v5, v10;
	v10 =	vld [tilespmem:s25+$0x470]  }
0xcf: {  	v12 =	vld [tilespmem:s28+$0x4400];
	[tilespmem:s25+$0x410] =	vst v11;
	v4 =	vmul.f32 v4, v9  }
0xd0: {  	v11 =	vld [tilespmem:s28+$0x4410];
	[tilespmem:s25+$0x420] =	vst v5;
	v3 =	vmul.f32 v3, v8  }
0xd1: {  	v5 =	vld [tilespmem:s28+$0x4420];
	[tilespmem:s25+$0x430] =	vst v4;
	v2 =	vmul.f32 v2, v6  }
0xd2: {  	v4 =	vld [tilespmem:s28+$0x4430];
	[tilespmem:s25+$0x440] =	vst v3;
	v1 =	vmul.f32 v1, v7  }
0xd3: {  	v3 =	vld [tilespmem:s28+$0x4440];
	[tilespmem:s25+$0x450] =	vst v2;
	v0 =	vmul.f32 v0, v10  }
0xd4: {  	v2 =	vld [tilespmem:s28+$0x4450];
	[tilespmem:s25+$0x460] =	vst v1  }
0xd5: {  	v1 =	vld [tilespmem:s28+$0x4460];
	[tilespmem:s25+$0x470] =	vst v0;
	s25 =	smov.u32 s28  }
0xd6: {  	v0 =	vld [tilespmem:s25+$0x4470]  }
0xd7: {  	v6 =	vld [tilespmem:s25+$0x400]  }
0xd8: {  	v7 =	vld [tilespmem:s25+$0x410]  }
.Ltmp3:
0xd9: {  	v10 =	vld [tilespmem:s25+$0x420];
	(pc) =	sbr.rel @p0 .LBB2_8-.Ltmp3, $4  }
0xda: {  	v9 =	vld [tilespmem:s25+$0x430]  }
0xdb: {  	v8 =	vld [tilespmem:s25+$0x440]  }
0xdc: {  	v12 =	vmul.f32 v12, v6;
	v6 =	vld [tilespmem:s25+$0x450]  }
0xdd: {  	s26 =	sadd.s32 $0x200, s26;
	v11 =	vmul.f32 v11, v7;
	v7 =	vld [tilespmem:s25+$0x460]  }
0xde: {  	[tilespmem:s25+$0x400] =	vst v12;
	v5 =	vmul.f32 v5, v10;
	v63 =	vld [tilespmem:s25+$0x470]  }
0xdf: {  	[tilespmem:s25+$0x410] =	vst v11;
	v4 =	vmul.f32 v4, v9  }
0xe0: {  	[tilespmem:s25+$0x420] =	vst v5;
	v3 =	vmul.f32 v3, v8  }
0xe1: {  	[tilespmem:s25+$0x430] =	vst v4;
	v2 =	vmul.f32 v2, v6  }
0xe2: {  	[tilespmem:s25+$0x440] =	vst v3;
	v1 =	vmul.f32 v1, v7  }
0xe3: {  	s24 =	sadd.s32 $0x1, s24;
	[tilespmem:s25+$0x450] =	vst v2;
	v0 =	vmul.f32 v0, v63  }
0xe4: {  	p0 =	sne.s32 s24, s11;
	[tilespmem:s25+$0x460] =	vst v1  }
.Ltmp4:
0xe5: {  	[tilespmem:s25+$0x470] =	vst v0;
	(pc) =	sbr.rel @p0 .LBB2_1-.Ltmp4, $4  }
0xe6: {  	[hbm4b:s10+s4] =	stream.linear.scatter [tilespmem:s15], [sflag:$0x3], $0x4000, $0x38;
	[tilespmem:$0x8400] =	vst v63  }
0xe7: {  	_ =	swait.ge [sflag:s12], $0x4000  }
0xe8: {  	[sflag:s12] =	ssyncset.done $0x0  }
0xe9: {  	[sflag:s12] =	ssyncadd.s32 $0xFFFFC000  }
0xea: {  	_ =	sfence.sel $0x180000  }
0xeb: {  	[bflag:$0x0] =	sbarrier.arrive $0xFFFF  }
0xec: {  	p0 =	sne.s32 s2, $0x0;
	_ =	strace $0x90000047  }
0xed: {  	s0 =	sadd.s32 @!p0 $0x100000, s0;
	[bflag:$0x2] =	sbarrier.arrive $0xFFFF  }
0xee: {  	[sflag:s0] =	ssyncadd.tile.s32 @!p0 $0x1;
	_ =	shalt  }
.Lfunc_end2:
_tile_overlayer_lowered:
.L_overlay_start_2:
0xef: {  	(tag) =	ssettag $0x2  }
0xf0: {  	s0 =	rddreg [dreg:$0x0];
	s2 =	stileid.u32  }
0xf1: {  	s1 =	rddreg [dreg:$0x1];
	p0 =	sne.s32 s2, $0x0  }
0xf2: {  	s3 =	rddreg [dreg:$0x2];
	[bflag:$0x3] =	sbarrier.arrive $0xFFFF;
	s2 =	simm.s32 @!p0 $0x1C03  }
0xf3: {  	[timem:s3], [sflag:s2] =	dma.local @!p0 [hbm:s0], s1  }
0xf4: {  	s0 =	simm.s32 @!p0 $0x3  }
0xf5: {  	_ =	swait.ge @!p0 [sflag:s0], s1  }
0xf6: {  	s1 =	ssub.s32 @!p0 $0x0, s1;
	[sflag:s0] =	ssyncset.done @!p0 $0x0  }
0xf7: {  	[sflag:s0] =	ssyncadd.s32 @!p0 s1  }
0xf8: {  	[bflag:$0x3] =	sbarrier.arrive $0xFFFF  }
0xf9: {  	_ =	shalt  }

</sc_bundles>
